<compile_context>
chip_gen: v7x
topology: tpu7x:2x2x1
jax: 0.10.2.dev20260603
libtpu: 0.0.44.dev20260713+nightly
codegen_flags: <defaults>
</compile_context>

<pallas_src>
import functools

import jax
import jax.numpy as jnp
from jax import lax
from jax.experimental import pallas as pl
from jax.experimental.pallas import tpu as pltpu
from jax.experimental.pallas import tpu_sc as plsc


def _body(H, W, D, x_hbm, h_hbm, w_hbm, o_hbm, htab, wtab, buf):
    c = lax.axis_index("c")
    s = lax.axis_index("s")
    wid = s * 2 + c
    pltpu.sync_copy(h_hbm.at[pl.ds(0, H)], htab)
    pltpu.sync_copy(w_hbm.at[pl.ds(0, W)], wtab)
    base = wid * (H * W)
    nchunks = D // 16

    def body_h(h, carry):
        pltpu.sync_copy(x_hbm.at[pl.ds(base + h * W, W)], buf)

        def body_w(w, carry2):
            for cc in range(nchunks):
                off = cc * 16
                buf[w, pl.ds(off, 16)] = (
                    buf[w, pl.ds(off, 16)]
                    + htab[h, pl.ds(off, 16)]
                    + wtab[w, pl.ds(off, 16)])
            return carry2

        lax.fori_loop(0, W, body_w, 0)
        pltpu.sync_copy(buf, o_hbm.at[pl.ds(base + h * W, W)])
        return carry

    lax.fori_loop(0, H, body_h, 0)


def kernel(x, h_table, w_table):
    B, H, W, D = x.shape
    mesh = plsc.VectorSubcoreMesh(core_axis_name="c", subcore_axis_name="s")
    kern = pl.kernel(
        functools.partial(_body, H, W, D),
        out_type=jax.ShapeDtypeStruct((B * H * W, D), jnp.float32),
        mesh=mesh,
        scratch_types=[
            pltpu.VMEM((H, D), jnp.float32),
            pltpu.VMEM((W, D), jnp.float32),
            pltpu.VMEM((W, D), jnp.float32),
        ],
    )
    out = kern(x.reshape(B * H * W, D), h_table, w_table)
    return out.reshape(B, H, W, D)

# --- scband reference (transcript-rebuilt; emitter-appended) ---
"""Pipeline reference for scband-learned-positional-encoding2-d-64862596104257 (READ-ONLY COPY).

The authoritative reference and input builder live on the scoring server;
editing this copy changes nothing except your own understanding.
"""

import jax, jax.numpy as jnp
import numpy as np

D_MODEL = 768
MAX_H = 2048
MAX_W = 2048
B, H, W = 32, 32, 32


def setup_inputs(seed: int = 0) -> dict:
    key = jax.random.key(seed)
    k1, k2, k3 = jax.random.split(key, 3)
    x = jax.random.normal(k1, (B, H, W, D_MODEL), dtype=jnp.float32)
    # learned embedding tables (nn.Embedding default init ~ N(0,1))
    h_table = jax.random.normal(k2, (MAX_H, D_MODEL), dtype=jnp.float32)
    w_table = jax.random.normal(k3, (MAX_W, D_MODEL), dtype=jnp.float32)
    return {"x": x, "h_table": h_table, "w_table": w_table}


def reference(x, h_table, w_table):
    # h_pos = arange(H), w_pos = arange(W); embedding lookup == row gather
    h_pos = jnp.arange(x.shape[1])
    w_pos = jnp.arange(x.shape[2])
    h_emb = jnp.take(h_table, h_pos, axis=0)[:, None, :]   # [H, 1, D]
    w_emb = jnp.take(w_table, w_pos, axis=0)[None, :, :]   # [1, W, D]
    out = x + h_emb + w_emb
    # dropout in eval mode is identity
    return out

if __name__ == "__main__":
    import jax
    _d = setup_inputs()
    print(jax.jit(kernel)(*tuple(_d.values())))

</pallas_src>

<mosaic_0001>
#map = affine_map<(d0, d1) -> (0, 0)>
module attributes {stable_mosaic.version = 14 : i64} {
  func.func @_body(%arg0: i32, %arg1: i32, %arg2: memref<32768x768xf32, #tpu.memory_space<hbm>>, %arg3: memref<2048x768xf32, #tpu.memory_space<hbm>>, %arg4: memref<2048x768xf32, #tpu.memory_space<hbm>>, %arg5: memref<32768x768xf32, #tpu.memory_space<hbm>>, %arg6: memref<32x768xf32, #tpu.memory_space<vmem>>, %arg7: memref<32x768xf32, #tpu.memory_space<vmem>>, %arg8: memref<32x768xf32, #tpu.memory_space<vmem>>) attributes {dimension_semantics = [#tpu.dimension_semantics<core_parallel>, #tpu.dimension_semantics<subcore_parallel>], iteration_bounds = array<i64: 2, 16>, scalar_prefetch = 0 : i64, scratch_operands = 3 : i64, tpu.core_type = #tpu.core_type<sc_vector_subcore>, window_params = [{transform_indices = #map}, {transform_indices = #map}, {transform_indices = #map}, {transform_indices = #map}]} {
    %mul3A = arith.constant 2 : i32
    %mul3A_0 = arith.muli %arg1, %mul3A : i32
    %add3A = arith.addi %mul3A_0, %arg0 : i32
    "tpu.region"() ({
      %run_scoped3A = tpu.sem_alloc : memref<!tpu.dma_semaphore, #tpu.memory_space<semaphore_mem>>
      %dma_start3A = arith.constant 0 : i32
      %dma_start3A_8 = arith.constant 0 : i32
      %dma_start3A_9 = tpu.memref_slice %arg3[%dma_start3A, %dma_start3A_8] : memref<2048x768xf32, #tpu.memory_space<hbm>> -> memref<32x768xf32, #tpu.memory_space<hbm>>
      %dma_start3A_10 = arith.constant 0 : i32
      %dma_start3A_11 = arith.constant 0 : i32
      %dma_start3A_12 = tpu.memref_slice %arg3[%dma_start3A_10, %dma_start3A_11] : memref<2048x768xf32, #tpu.memory_space<hbm>> -> memref<32x768xf32, #tpu.memory_space<hbm>>
      tpu.enqueue_dma source(%dma_start3A_12 : memref<32x768xf32, #tpu.memory_space<hbm>>) target(%arg6 : memref<32x768xf32, #tpu.memory_space<vmem>>) target_semaphore(%run_scoped3A : memref<!tpu.dma_semaphore, #tpu.memory_space<semaphore_mem>>)
      %dma_wait3A = arith.constant 0 : i32
      %dma_wait3A_13 = arith.constant 0 : i32
      %dma_wait3A_14 = tpu.memref_slice %arg3[%dma_wait3A, %dma_wait3A_13] : memref<2048x768xf32, #tpu.memory_space<hbm>> -> memref<32x768xf32, #tpu.memory_space<hbm>>
      %dma_wait3A_15 = arith.constant 0 : i32
      %dma_wait3A_16 = arith.constant 0 : i32
      %dma_wait3A_17 = tpu.memref_slice %arg3[%dma_wait3A_15, %dma_wait3A_16] : memref<2048x768xf32, #tpu.memory_space<hbm>> -> memref<32x768xf32, #tpu.memory_space<hbm>>
      tpu.wait_dma2 semaphore(%run_scoped3A : memref<!tpu.dma_semaphore, #tpu.memory_space<semaphore_mem>>) src(%dma_wait3A_17 : memref<32x768xf32, #tpu.memory_space<hbm>>) dst(%arg6 : memref<32x768xf32, #tpu.memory_space<vmem>>)
      tpu.yield
    }) : () -> ()
    "tpu.region"() ({
      %run_scoped3A = tpu.sem_alloc : memref<!tpu.dma_semaphore, #tpu.memory_space<semaphore_mem>>
      %dma_start3A = arith.constant 0 : i32
      %dma_start3A_8 = arith.constant 0 : i32
      %dma_start3A_9 = tpu.memref_slice %arg4[%dma_start3A, %dma_start3A_8] : memref<2048x768xf32, #tpu.memory_space<hbm>> -> memref<32x768xf32, #tpu.memory_space<hbm>>
      %dma_start3A_10 = arith.constant 0 : i32
      %dma_start3A_11 = arith.constant 0 : i32
      %dma_start3A_12 = tpu.memref_slice %arg4[%dma_start3A_10, %dma_start3A_11] : memref<2048x768xf32, #tpu.memory_space<hbm>> -> memref<32x768xf32, #tpu.memory_space<hbm>>
      tpu.enqueue_dma source(%dma_start3A_12 : memref<32x768xf32, #tpu.memory_space<hbm>>) target(%arg7 : memref<32x768xf32, #tpu.memory_space<vmem>>) target_semaphore(%run_scoped3A : memref<!tpu.dma_semaphore, #tpu.memory_space<semaphore_mem>>)
      %dma_wait3A = arith.constant 0 : i32
      %dma_wait3A_13 = arith.constant 0 : i32
      %dma_wait3A_14 = tpu.memref_slice %arg4[%dma_wait3A, %dma_wait3A_13] : memref<2048x768xf32, #tpu.memory_space<hbm>> -> memref<32x768xf32, #tpu.memory_space<hbm>>
      %dma_wait3A_15 = arith.constant 0 : i32
      %dma_wait3A_16 = arith.constant 0 : i32
      %dma_wait3A_17 = tpu.memref_slice %arg4[%dma_wait3A_15, %dma_wait3A_16] : memref<2048x768xf32, #tpu.memory_space<hbm>> -> memref<32x768xf32, #tpu.memory_space<hbm>>
      tpu.wait_dma2 semaphore(%run_scoped3A : memref<!tpu.dma_semaphore, #tpu.memory_space<semaphore_mem>>) src(%dma_wait3A_17 : memref<32x768xf32, #tpu.memory_space<hbm>>) dst(%arg7 : memref<32x768xf32, #tpu.memory_space<vmem>>)
      tpu.yield
    }) : () -> ()
    %mul3A_1 = arith.constant 1024 : i32
    %mul3A_2 = arith.muli %add3A, %mul3A_1 : i32
    %scan3A = arith.constant 0 : i32
    %scan3A_3 = arith.constant 0 : i32
    %scan3A_4 = arith.constant 32 : i32
    %scan3A_5 = arith.addi %scan3A_3, %scan3A_4 : i32
    %scan3A_6 = arith.constant 1 : i32
    scf.for %scan3A_8 = %scan3A_3 to %scan3A_5 step %scan3A_6  : i32 {
      %mul3A_9 = arith.constant 32 : i32
      %mul3A_10 = arith.muli %scan3A_8, %mul3A_9 : i32
      %add3A_11 = arith.addi %mul3A_2, %mul3A_10 : i32
      "tpu.region"() ({
        %run_scoped3A = tpu.sem_alloc : memref<!tpu.dma_semaphore, #tpu.memory_space<semaphore_mem>>
        %dma_start3A = arith.constant 0 : i32
        %dma_start3A_21 = tpu.memref_slice %arg2[%add3A_11, %dma_start3A] : memref<32768x768xf32, #tpu.memory_space<hbm>> -> memref<32x768xf32, #tpu.memory_space<hbm>>
        %dma_start3A_22 = arith.constant 0 : i32
        %dma_start3A_23 = tpu.memref_slice %arg2[%add3A_11, %dma_start3A_22] : memref<32768x768xf32, #tpu.memory_space<hbm>> -> memref<32x768xf32, #tpu.memory_space<hbm>>
        tpu.enqueue_dma source(%dma_start3A_23 : memref<32x768xf32, #tpu.memory_space<hbm>>) target(%arg8 : memref<32x768xf32, #tpu.memory_space<vmem>>) target_semaphore(%run_scoped3A : memref<!tpu.dma_semaphore, #tpu.memory_space<semaphore_mem>>)
        %dma_wait3A = arith.constant 0 : i32
        %dma_wait3A_24 = tpu.memref_slice %arg2[%add3A_11, %dma_wait3A] : memref<32768x768xf32, #tpu.memory_space<hbm>> -> memref<32x768xf32, #tpu.memory_space<hbm>>
        %dma_wait3A_25 = arith.constant 0 : i32
        %dma_wait3A_26 = tpu.memref_slice %arg2[%add3A_11, %dma_wait3A_25] : memref<32768x768xf32, #tpu.memory_space<hbm>> -> memref<32x768xf32, #tpu.memory_space<hbm>>
        tpu.wait_dma2 semaphore(%run_scoped3A : memref<!tpu.dma_semaphore, #tpu.memory_space<semaphore_mem>>) src(%dma_wait3A_26 : memref<32x768xf32, #tpu.memory_space<hbm>>) dst(%arg8 : memref<32x768xf32, #tpu.memory_space<vmem>>)
        tpu.yield
      }) : () -> ()
      %scan3A_12 = arith.constant 0 : i32
      %scan3A_13 = arith.constant 0 : i32
      %scan3A_14 = arith.constant 32 : i32
      %scan3A_15 = arith.addi %scan3A_13, %scan3A_14 : i32
      %scan3A_16 = arith.constant 1 : i32
      scf.for %scan3A_21 = %scan3A_13 to %scan3A_15 step %scan3A_16  : i32 {
        %get3A = arith.index_cast %scan3A_21 : i32 to index
        %get3A_22 = arith.constant 0 : index
        %get3A_23 = tpu.vector_load %arg8[%get3A, %get3A_22] {strides = array<i32>} : memref<32x768xf32, #tpu.memory_space<vmem>>, vector<1x16xf32>,
        %get3A_24 = vector.shape_cast %get3A_23 : vector<1x16xf32> to vector<16xf32>
        %get3A_25 = arith.index_cast %scan3A_8 : i32 to index
        %get3A_26 = arith.constant 0 : index
        %get3A_27 = tpu.vector_load %arg6[%get3A_25, %get3A_26] {strides = array<i32>} : memref<32x768xf32, #tpu.memory_space<vmem>>, vector<1x16xf32>,
        %get3A_28 = vector.shape_cast %get3A_27 : vector<1x16xf32> to vector<16xf32>
        %add3A_29 = arith.addf %get3A_24, %get3A_28 : vector<16xf32>
        %get3A_30 = arith.index_cast %scan3A_21 : i32 to index
        %get3A_31 = arith.constant 0 : index
        %get3A_32 = tpu.vector_load %arg7[%get3A_30, %get3A_31] {strides = array<i32>} : memref<32x768xf32, #tpu.memory_space<vmem>>, vector<1x16xf32>,
        %get3A_33 = vector.shape_cast %get3A_32 : vector<1x16xf32> to vector<16xf32>
        %add3A_34 = arith.addf %add3A_29, %get3A_33 : vector<16xf32>
        %swap3A = arith.index_cast %scan3A_21 : i32 to index
        %swap3A_35 = arith.constant 0 : index
        %swap3A_36 = tpu.vector_load %arg8[%swap3A, %swap3A_35] {strides = array<i32>} : memref<32x768xf32, #tpu.memory_space<vmem>>, vector<1x16xf32>,
        %swap3A_37 = vector.shape_cast %swap3A_36 : vector<1x16xf32> to vector<16xf32>
        %swap3A_38 = vector.shape_cast %add3A_34 : vector<16xf32> to vector<1x16xf32>
        tpu.vector_store %arg8[%swap3A, %swap3A_35], %swap3A_38 {strides = array<i32>} : memref<32x768xf32, #tpu.memory_space<vmem>>, vector<1x16xf32>,
        %get3A_39 = arith.index_cast %scan3A_21 : i32 to index
        %get3A_40 = arith.constant 16 : index
        %get3A_41 = tpu.vector_load %arg8[%get3A_39, %get3A_40] {strides = array<i32>} : memref<32x768xf32, #tpu.memory_space<vmem>>, vector<1x16xf32>,
        %get3A_42 = vector.shape_cast %get3A_41 : vector<1x16xf32> to vector<16xf32>
        %get3A_43 = arith.index_cast %scan3A_8 : i32 to index
        %get3A_44 = arith.constant 16 : index
        %get3A_45 = tpu.vector_load %arg6[%get3A_43, %get3A_44] {strides = array<i32>} : memref<32x768xf32, #tpu.memory_space<vmem>>, vector<1x16xf32>,
        %get3A_46 = vector.shape_cast %get3A_45 : vector<1x16xf32> to vector<16xf32>
        %add3A_47 = arith.addf %get3A_42, %get3A_46 : vector<16xf32>
        %get3A_48 = arith.index_cast %scan3A_21 : i32 to index
        %get3A_49 = arith.constant 16 : index
        %get3A_50 = tpu.vector_load %arg7[%get3A_48, %get3A_49] {strides = array<i32>} : memref<32x768xf32, #tpu.memory_space<vmem>>, vector<1x16xf32>,
        %get3A_51 = vector.shape_cast %get3A_50 : vector<1x16xf32> to vector<16xf32>
        %add3A_52 = arith.addf %add3A_47, %get3A_51 : vector<16xf32>
        %swap3A_53 = arith.index_cast %scan3A_21 : i32 to index
        %swap3A_54 = arith.constant 16 : index
        %swap3A_55 = tpu.vector_load %arg8[%swap3A_53, %swap3A_54] {strides = array<i32>} : memref<32x768xf32, #tpu.memory_space<vmem>>, vector<1x16xf32>,
        %swap3A_56 = vector.shape_cast %swap3A_55 : vector<1x16xf32> to vector<16xf32>
        %swap3A_57 = vector.shape_cast %add3A_52 : vector<16xf32> to vector<1x16xf32>
        tpu.vector_store %arg8[%swap3A_53, %swap3A_54], %swap3A_57 {strides = array<i32>} : memref<32x768xf32, #tpu.memory_space<vmem>>, vector<1x16xf32>,
        %get3A_58 = arith.index_cast %scan3A_21 : i32 to index
        %get3A_59 = arith.constant 32 : index
        %get3A_60 = tpu.vector_load %arg8[%get3A_58, %get3A_59] {strides = array<i32>} : memref<32x768xf32, #tpu.memory_space<vmem>>, vector<1x16xf32>,
        %get3A_61 = vector.shape_cast %get3A_60 : vector<1x16xf32> to vector<16xf32>
        %get3A_62 = arith.index_cast %scan3A_8 : i32 to index
        %get3A_63 = arith.constant 32 : index
        %get3A_64 = tpu.vector_load %arg6[%get3A_62, %get3A_63] {strides = array<i32>} : memref<32x768xf32, #tpu.memory_space<vmem>>, vector<1x16xf32>,
        %get3A_65 = vector.shape_cast %get3A_64 : vector<1x16xf32> to vector<16xf32>
        %add3A_66 = arith.addf %get3A_61, %get3A_65 : vector<16xf32>
        %get3A_67 = arith.index_cast %scan3A_21 : i32 to index
        %get3A_68 = arith.constant 32 : index
        %get3A_69 = tpu.vector_load %arg7[%get3A_67, %get3A_68] {strides = array<i32>} : memref<32x768xf32, #tpu.memory_space<vmem>>, vector<1x16xf32>,
        %get3A_70 = vector.shape_cast %get3A_69 : vector<1x16xf32> to vector<16xf32>
        %add3A_71 = arith.addf %add3A_66, %get3A_70 : vector<16xf32>
        %swap3A_72 = arith.index_cast %scan3A_21 : i32 to index
        %swap3A_73 = arith.constant 32 : index
        %swap3A_74 = tpu.vector_load %arg8[%swap3A_72, %swap3A_73] {strides = array<i32>} : memref<32x768xf32, #tpu.memory_space<vmem>>, vector<1x16xf32>,
        %swap3A_75 = vector.shape_cast %swap3A_74 : vector<1x16xf32> to vector<16xf32>
        %swap3A_76 = vector.shape_cast %add3A_71 : vector<16xf32> to vector<1x16xf32>
        tpu.vector_store %arg8[%swap3A_72, %swap3A_73], %swap3A_76 {strides = array<i32>} : memref<32x768xf32, #tpu.memory_space<vmem>>, vector<1x16xf32>,
        %get3A_77 = arith.index_cast %scan3A_21 : i32 to index
        %get3A_78 = arith.constant 48 : index
        %get3A_79 = tpu.vector_load %arg8[%get3A_77, %get3A_78] {strides = array<i32>} : memref<32x768xf32, #tpu.memory_space<vmem>>, vector<1x16xf32>,
        %get3A_80 = vector.shape_cast %get3A_79 : vector<1x16xf32> to vector<16xf32>
        %get3A_81 = arith.index_cast %scan3A_8 : i32 to index
        %get3A_82 = arith.constant 48 : index
        %get3A_83 = tpu.vector_load %arg6[%get3A_81, %get3A_82] {strides = array<i32>} : memref<32x768xf32, #tpu.memory_space<vmem>>, vector<1x16xf32>,
        %get3A_84 = vector.shape_cast %get3A_83 : vector<1x16xf32> to vector<16xf32>
        %add3A_85 = arith.addf %get3A_80, %get3A_84 : vector<16xf32>
        %get3A_86 = arith.index_cast %scan3A_21 : i32 to index
        %get3A_87 = arith.constant 48 : index
        %get3A_88 = tpu.vector_load %arg7[%get3A_86, %get3A_87] {strides = array<i32>} : memref<32x768xf32, #tpu.memory_space<vmem>>, vector<1x16xf32>,
        %get3A_89 = vector.shape_cast %get3A_88 : vector<1x16xf32> to vector<16xf32>
        %add3A_90 = arith.addf %add3A_85, %get3A_89 : vector<16xf32>
        %swap3A_91 = arith.index_cast %scan3A_21 : i32 to index
        %swap3A_92 = arith.constant 48 : index
        %swap3A_93 = tpu.vector_load %arg8[%swap3A_91, %swap3A_92] {strides = array<i32>} : memref<32x768xf32, #tpu.memory_space<vmem>>, vector<1x16xf32>,
        %swap3A_94 = vector.shape_cast %swap3A_93 : vector<1x16xf32> to vector<16xf32>
        %swap3A_95 = vector.shape_cast %add3A_90 : vector<16xf32> to vector<1x16xf32>
        tpu.vector_store %arg8[%swap3A_91, %swap3A_92], %swap3A_95 {strides = array<i32>} : memref<32x768xf32, #tpu.memory_space<vmem>>, vector<1x16xf32>,
        %get3A_96 = arith.index_cast %scan3A_21 : i32 to index
        %get3A_97 = arith.constant 64 : index
        %get3A_98 = tpu.vector_load %arg8[%get3A_96, %get3A_97] {strides = array<i32>} : memref<32x768xf32, #tpu.memory_space<vmem>>, vector<1x16xf32>,
        %get3A_99 = vector.shape_cast %get3A_98 : vector<1x16xf32> to vector<16xf32>
        %get3A_100 = arith.index_cast %scan3A_8 : i32 to index
        %get3A_101 = arith.constant 64 : index
        %get3A_102 = tpu.vector_load %arg6[%get3A_100, %get3A_101] {strides = array<i32>} : memref<32x768xf32, #tpu.memory_space<vmem>>, vector<1x16xf32>,
        %get3A_103 = vector.shape_cast %get3A_102 : vector<1x16xf32> to vector<16xf32>
        %add3A_104 = arith.addf %get3A_99, %get3A_103 : vector<16xf32>
        %get3A_105 = arith.index_cast %scan3A_21 : i32 to index
        %get3A_106 = arith.constant 64 : index
        %get3A_107 = tpu.vector_load %arg7[%get3A_105, %get3A_106] {strides = array<i32>} : memref<32x768xf32, #tpu.memory_space<vmem>>, vector<1x16xf32>,
        %get3A_108 = vector.shape_cast %get3A_107 : vector<1x16xf32> to vector<16xf32>
        %add3A_109 = arith.addf %add3A_104, %get3A_108 : vector<16xf32>
        %swap3A_110 = arith.index_cast %scan3A_21 : i32 to index
        %swap3A_111 = arith.constant 64 : index
        %swap3A_112 = tpu.vector_load %arg8[%swap3A_110, %swap3A_111] {strides = array<i32>} : memref<32x768xf32, #tpu.memory_space<vmem>>, vector<1x16xf32>,
        %swap3A_113 = vector.shape_cast %swap3A_112 : vector<1x16xf32> to vector<16xf32>
        %swap3A_114 = vector.shape_cast %add3A_109 : vector<16xf32> to vector<1x16xf32>
        tpu.vector_store %arg8[%swap3A_110, %swap3A_111], %swap3A_114 {strides = array<i32>} : memref<32x768xf32, #tpu.memory_space<vmem>>, vector<1x16xf32>,
        %get3A_115 = arith.index_cast %scan3A_21 : i32 to index
        %get3A_116 = arith.constant 80 : index
        %get3A_117 = tpu.vector_load %arg8[%get3A_115, %get3A_116] {strides = array<i32>} : memref<32x768xf32, #tpu.memory_space<vmem>>, vector<1x16xf32>,
        %get3A_118 = vector.shape_cast %get3A_117 : vector<1x16xf32> to vector<16xf32>
        %get3A_119 = arith.index_cast %scan3A_8 : i32 to index
        %get3A_120 = arith.constant 80 : index
        %get3A_121 = tpu.vector_load %arg6[%get3A_119, %get3A_120] {strides = array<i32>} : memref<32x768xf32, #tpu.memory_space<vmem>>, vector<1x16xf32>,
        %get3A_122 = vector.shape_cast %get3A_121 : vector<1x16xf32> to vector<16xf32>
        %add3A_123 = arith.addf %get3A_118, %get3A_122 : vector<16xf32>
        %get3A_124 = arith.index_cast %scan3A_21 : i32 to index
        %get3A_125 = arith.constant 80 : index
        %get3A_126 = tpu.vector_load %arg7[%get3A_124, %get3A_125] {strides = array<i32>} : memref<32x768xf32, #tpu.memory_space<vmem>>, vector<1x16xf32>,
        %get3A_127 = vector.shape_cast %get3A_126 : vector<1x16xf32> to vector<16xf32>
        %add3A_128 = arith.addf %add3A_123, %get3A_127 : vector<16xf32>
        %swap3A_129 = arith.index_cast %scan3A_21 : i32 to index
        %swap3A_130 = arith.constant 80 : index
        %swap3A_131 = tpu.vector_load %arg8[%swap3A_129, %swap3A_130] {strides = array<i32>} : memref<32x768xf32, #tpu.memory_space<vmem>>, vector<1x16xf32>,
        %swap3A_132 = vector.shape_cast %swap3A_131 : vector<1x16xf32> to vector<16xf32>
        %swap3A_133 = vector.shape_cast %add3A_128 : vector<16xf32> to vector<1x16xf32>
        tpu.vector_store %arg8[%swap3A_129, %swap3A_130], %swap3A_133 {strides = array<i32>} : memref<32x768xf32, #tpu.memory_space<vmem>>, vector<1x16xf32>,
        %get3A_134 = arith.index_cast %scan3A_21 : i32 to index
        %get3A_135 = arith.constant 96 : index
        %get3A_136 = tpu.vector_load %arg8[%get3A_134, %get3A_135] {strides = array<i32>} : memref<32x768xf32, #tpu.memory_space<vmem>>, vector<1x16xf32>,
        %get3A_137 = vector.shape_cast %get3A_136 : vector<1x16xf32> to vector<16xf32>
        %get3A_138 = arith.index_cast %scan3A_8 : i32 to index
        %get3A_139 = arith.constant 96 : index
        %get3A_140 = tpu.vector_load %arg6[%get3A_138, %get3A_139] {strides = array<i32>} : memref<32x768xf32, #tpu.memory_space<vmem>>, vector<1x16xf32>,
        %get3A_141 = vector.shape_cast %get3A_140 : vector<1x16xf32> to vector<16xf32>
        %add3A_142 = arith.addf %get3A_137, %get3A_141 : vector<16xf32>
        %get3A_143 = arith.index_cast %scan3A_21 : i32 to index
        %get3A_144 = arith.constant 96 : index
        %get3A_145 = tpu.vector_load %arg7[%get3A_143, %get3A_144] {strides = array<i32>} : memref<32x768xf32, #tpu.memory_space<vmem>>, vector<1x16xf32>,
        %get3A_146 = vector.shape_cast %get3A_145 : vector<1x16xf32> to vector<16xf32>
        %add3A_147 = arith.addf %add3A_142, %get3A_146 : vector<16xf32>
        %swap3A_148 = arith.index_cast %scan3A_21 : i32 to index
        %swap3A_149 = arith.constant 96 : index
        %swap3A_150 = tpu.vector_load %arg8[%swap3A_148, %swap3A_149] {strides = array<i32>} : memref<32x768xf32, #tpu.memory_space<vmem>>, vector<1x16xf32>,
        %swap3A_151 = vector.shape_cast %swap3A_150 : vector<1x16xf32> to vector<16xf32>
        %swap3A_152 = vector.shape_cast %add3A_147 : vector<16xf32> to vector<1x16xf32>
        tpu.vector_store %arg8[%swap3A_148, %swap3A_149], %swap3A_152 {strides = array<i32>} : memref<32x768xf32, #tpu.memory_space<vmem>>, vector<1x16xf32>,
        %get3A_153 = arith.index_cast %scan3A_21 : i32 to index
        %get3A_154 = arith.constant 112 : index
        %get3A_155 = tpu.vector_load %arg8[%get3A_153, %get3A_154] {strides = array<i32>} : memref<32x768xf32, #tpu.memory_space<vmem>>, vector<1x16xf32>,
        %get3A_156 = vector.shape_cast %get3A_155 : vector<1x16xf32> to vector<16xf32>
        %get3A_157 = arith.index_cast %scan3A_8 : i32 to index
        %get3A_158 = arith.constant 112 : index
        %get3A_159 = tpu.vector_load %arg6[%get3A_157, %get3A_158] {strides = array<i32>} : memref<32x768xf32, #tpu.memory_space<vmem>>, vector<1x16xf32>,
        %get3A_160 = vector.shape_cast %get3A_159 : vector<1x16xf32> to vector<16xf32>
        %add3A_161 = arith.addf %get3A_156, %get3A_160 : vector<16xf32>
        %get3A_162 = arith.index_cast %scan3A_21 : i32 to index
        %get3A_163 = arith.constant 112 : index
        %get3A_164 = tpu.vector_load %arg7[%get3A_162, %get3A_163] {strides = array<i32>} : memref<32x768xf32, #tpu.memory_space<vmem>>, vector<1x16xf32>,
        %get3A_165 = vector.shape_cast %get3A_164 : vector<1x16xf32> to vector<16xf32>
        %add3A_166 = arith.addf %add3A_161, %get3A_165 : vector<16xf32>
        %swap3A_167 = arith.index_cast %scan3A_21 : i32 to index
        %swap3A_168 = arith.constant 112 : index
        %swap3A_169 = tpu.vector_load %arg8[%swap3A_167, %swap3A_168] {strides = array<i32>} : memref<32x768xf32, #tpu.memory_space<vmem>>, vector<1x16xf32>,
        %swap3A_170 = vector.shape_cast %swap3A_169 : vector<1x16xf32> to vector<16xf32>
        %swap3A_171 = vector.shape_cast %add3A_166 : vector<16xf32> to vector<1x16xf32>
        tpu.vector_store %arg8[%swap3A_167, %swap3A_168], %swap3A_171 {strides = array<i32>} : memref<32x768xf32, #tpu.memory_space<vmem>>, vector<1x16xf32>,
        %get3A_172 = arith.index_cast %scan3A_21 : i32 to index
        %get3A_173 = arith.constant 128 : index
        %get3A_174 = tpu.vector_load %arg8[%get3A_172, %get3A_173] {strides = array<i32>} : memref<32x768xf32, #tpu.memory_space<vmem>>, vector<1x16xf32>,
        %get3A_175 = vector.shape_cast %get3A_174 : vector<1x16xf32> to vector<16xf32>
        %get3A_176 = arith.index_cast %scan3A_8 : i32 to index
        %get3A_177 = arith.constant 128 : index
        %get3A_178 = tpu.vector_load %arg6[%get3A_176, %get3A_177] {strides = array<i32>} : memref<32x768xf32, #tpu.memory_space<vmem>>, vector<1x16xf32>,
        %get3A_179 = vector.shape_cast %get3A_178 : vector<1x16xf32> to vector<16xf32>
        %add3A_180 = arith.addf %get3A_175, %get3A_179 : vector<16xf32>
        %get3A_181 = arith.index_cast %scan3A_21 : i32 to index
        %get3A_182 = arith.constant 128 : index
        %get3A_183 = tpu.vector_load %arg7[%get3A_181, %get3A_182] {strides = array<i32>} : memref<32x768xf32, #tpu.memory_space<vmem>>, vector<1x16xf32>,
        %get3A_184 = vector.shape_cast %get3A_183 : vector<1x16xf32> to vector<16xf32>
        %add3A_185 = arith.addf %add3A_180, %get3A_184 : vector<16xf32>
        %swap3A_186 = arith.index_cast %scan3A_21 : i32 to index
        %swap3A_187 = arith.constant 128 : index
        %swap3A_188 = tpu.vector_load %arg8[%swap3A_186, %swap3A_187] {strides = array<i32>} : memref<32x768xf32, #tpu.memory_space<vmem>>, vector<1x16xf32>,
        %swap3A_189 = vector.shape_cast %swap3A_188 : vector<1x16xf32> to vector<16xf32>
        %swap3A_190 = vector.shape_cast %add3A_185 : vector<16xf32> to vector<1x16xf32>
        tpu.vector_store %arg8[%swap3A_186, %swap3A_187], %swap3A_190 {strides = array<i32>} : memref<32x768xf32, #tpu.memory_space<vmem>>, vector<1x16xf32>,
        %get3A_191 = arith.index_cast %scan3A_21 : i32 to index
        %get3A_192 = arith.constant 144 : index
        %get3A_193 = tpu.vector_load %arg8[%get3A_191, %get3A_192] {strides = array<i32>} : memref<32x768xf32, #tpu.memory_space<vmem>>, vector<1x16xf32>,
        %get3A_194 = vector.shape_cast %get3A_193 : vector<1x16xf32> to vector<16xf32>
        %get3A_195 = arith.index_cast %scan3A_8 : i32 to index
        %get3A_196 = arith.constant 144 : index
        %get3A_197 = tpu.vector_load %arg6[%get3A_195, %get3A_196] {strides = array<i32>} : memref<32x768xf32, #tpu.memory_space<vmem>>, vector<1x16xf32>,
        %get3A_198 = vector.shape_cast %get3A_197 : vector<1x16xf32> to vector<16xf32>
        %add3A_199 = arith.addf %get3A_194, %get3A_198 : vector<16xf32>
        %get3A_200 = arith.index_cast %scan3A_21 : i32 to index
        %get3A_201 = arith.constant 144 : index
        %get3A_202 = tpu.vector_load %arg7[%get3A_200, %get3A_201] {strides = array<i32>} : memref<32x768xf32, #tpu.memory_space<vmem>>, vector<1x16xf32>,
        %get3A_203 = vector.shape_cast %get3A_202 : vector<1x16xf32> to vector<16xf32>
        %add3A_204 = arith.addf %add3A_199, %get3A_203 : vector<16xf32>
        %swap3A_205 = arith.index_cast %scan3A_21 : i32 to index
        %swap3A_206 = arith.constant 144 : index
        %swap3A_207 = tpu.vector_load %arg8[%swap3A_205, %swap3A_206] {strides = array<i32>} : memref<32x768xf32, #tpu.memory_space<vmem>>, vector<1x16xf32>,
        %swap3A_208 = vector.shape_cast %swap3A_207 : vector<1x16xf32> to vector<16xf32>
        %swap3A_209 = vector.shape_cast %add3A_204 : vector<16xf32> to vector<1x16xf32>
        tpu.vector_store %arg8[%swap3A_205, %swap3A_206], %swap3A_209 {strides = array<i32>} : memref<32x768xf32, #tpu.memory_space<vmem>>, vector<1x16xf32>,
        %get3A_210 = arith.index_cast %scan3A_21 : i32 to index
        %get3A_211 = arith.constant 160 : index
        %get3A_212 = tpu.vector_load %arg8[%get3A_210, %get3A_211] {strides = array<i32>} : memref<32x768xf32, #tpu.memory_space<vmem>>, vector<1x16xf32>,
        %get3A_213 = vector.shape_cast %get3A_212 : vector<1x16xf32> to vector<16xf32>
        %get3A_214 = arith.index_cast %scan3A_8 : i32 to index
        %get3A_215 = arith.constant 160 : index
        %get3A_216 = tpu.vector_load %arg6[%get3A_214, %get3A_215] {strides = array<i32>} : memref<32x768xf32, #tpu.memory_space<vmem>>, vector<1x16xf32>,
        %get3A_217 = vector.shape_cast %get3A_216 : vector<1x16xf32> to vector<16xf32>
        %add3A_218 = arith.addf %get3A_213, %get3A_217 : vector<16xf32>
        %get3A_219 = arith.index_cast %scan3A_21 : i32 to index
        %get3A_220 = arith.constant 160 : index
        %get3A_221 = tpu.vector_load %arg7[%get3A_219, %get3A_220] {strides = array<i32>} : memref<32x768xf32, #tpu.memory_space<vmem>>, vector<1x16xf32>,
        %get3A_222 = vector.shape_cast %get3A_221 : vector<1x16xf32> to vector<16xf32>
        %add3A_223 = arith.addf %add3A_218, %get3A_222 : vector<16xf32>
        %swap3A_224 = arith.index_cast %scan3A_21 : i32 to index
        %swap3A_225 = arith.constant 160 : index
        %swap3A_226 = tpu.vector_load %arg8[%swap3A_224, %swap3A_225] {strides = array<i32>} : memref<32x768xf32, #tpu.memory_space<vmem>>, vector<1x16xf32>,
        %swap3A_227 = vector.shape_cast %swap3A_226 : vector<1x16xf32> to vector<16xf32>
        %swap3A_228 = vector.shape_cast %add3A_223 : vector<16xf32> to vector<1x16xf32>
        tpu.vector_store %arg8[%swap3A_224, %swap3A_225], %swap3A_228 {strides = array<i32>} : memref<32x768xf32, #tpu.memory_space<vmem>>, vector<1x16xf32>,
        %get3A_229 = arith.index_cast %scan3A_21 : i32 to index
        %get3A_230 = arith.constant 176 : index
        %get3A_231 = tpu.vector_load %arg8[%get3A_229, %get3A_230] {strides = array<i32>} : memref<32x768xf32, #tpu.memory_space<vmem>>, vector<1x16xf32>,
        %get3A_232 = vector.shape_cast %get3A_231 : vector<1x16xf32> to vector<16xf32>
        %get3A_233 = arith.index_cast %scan3A_8 : i32 to index
        %get3A_234 = arith.constant 176 : index
        %get3A_235 = tpu.vector_load %arg6[%get3A_233, %get3A_234] {strides = array<i32>} : memref<32x768xf32, #tpu.memory_space<vmem>>, vector<1x16xf32>,
        %get3A_236 = vector.shape_cast %get3A_235 : vector<1x16xf32> to vector<16xf32>
        %add3A_237 = arith.addf %get3A_232, %get3A_236 : vector<16xf32>
        %get3A_238 = arith.index_cast %scan3A_21 : i32 to index
        %get3A_239 = arith.constant 176 : index
        %get3A_240 = tpu.vector_load %arg7[%get3A_238, %get3A_239] {strides = array<i32>} : memref<32x768xf32, #tpu.memory_space<vmem>>, vector<1x16xf32>,
        %get3A_241 = vector.shape_cast %get3A_240 : vector<1x16xf32> to vector<16xf32>
        %add3A_242 = arith.addf %add3A_237, %get3A_241 : vector<16xf32>
        %swap3A_243 = arith.index_cast %scan3A_21 : i32 to index
        %swap3A_244 = arith.constant 176 : index
        %swap3A_245 = tpu.vector_load %arg8[%swap3A_243, %swap3A_244] {strides = array<i32>} : memref<32x768xf32, #tpu.memory_space<vmem>>, vector<1x16xf32>,
        %swap3A_246 = vector.shape_cast %swap3A_245 : vector<1x16xf32> to vector<16xf32>
        %swap3A_247 = vector.shape_cast %add3A_242 : vector<16xf32> to vector<1x16xf32>
        tpu.vector_store %arg8[%swap3A_243, %swap3A_244], %swap3A_247 {strides = array<i32>} : memref<32x768xf32, #tpu.memory_space<vmem>>, vector<1x16xf32>,
        %get3A_248 = arith.index_cast %scan3A_21 : i32 to index
        %get3A_249 = arith.constant 192 : index
        %get3A_250 = tpu.vector_load %arg8[%get3A_248, %get3A_249] {strides = array<i32>} : memref<32x768xf32, #tpu.memory_space<vmem>>, vector<1x16xf32>,
        %get3A_251 = vector.shape_cast %get3A_250 : vector<1x16xf32> to vector<16xf32>
        %get3A_252 = arith.index_cast %scan3A_8 : i32 to index
        %get3A_253 = arith.constant 192 : index
        %get3A_254 = tpu.vector_load %arg6[%get3A_252, %get3A_253] {strides = array<i32>} : memref<32x768xf32, #tpu.memory_space<vmem>>, vector<1x16xf32>,
        %get3A_255 = vector.shape_cast %get3A_254 : vector<1x16xf32> to vector<16xf32>
        %add3A_256 = arith.addf %get3A_251, %get3A_255 : vector<16xf32>
        %get3A_257 = arith.index_cast %scan3A_21 : i32 to index
        %get3A_258 = arith.constant 192 : index
        %get3A_259 = tpu.vector_load %arg7[%get3A_257, %get3A_258] {strides = array<i32>} : memref<32x768xf32, #tpu.memory_space<vmem>>, vector<1x16xf32>,
        %get3A_260 = vector.shape_cast %get3A_259 : vector<1x16xf32> to vector<16xf32>
        %add3A_261 = arith.addf %add3A_256, %get3A_260 : vector<16xf32>
        %swap3A_262 = arith.index_cast %scan3A_21 : i32 to index
        %swap3A_263 = arith.constant 192 : index
        %swap3A_264 = tpu.vector_load %arg8[%swap3A_262, %swap3A_263] {strides = array<i32>} : memref<32x768xf32, #tpu.memory_space<vmem>>, vector<1x16xf32>,
        %swap3A_265 = vector.shape_cast %swap3A_264 : vector<1x16xf32> to vector<16xf32>
        %swap3A_266 = vector.shape_cast %add3A_261 : vector<16xf32> to vector<1x16xf32>
        tpu.vector_store %arg8[%swap3A_262, %swap3A_263], %swap3A_266 {strides = array<i32>} : memref<32x768xf32, #tpu.memory_space<vmem>>, vector<1x16xf32>,
        %get3A_267 = arith.index_cast %scan3A_21 : i32 to index
        %get3A_268 = arith.constant 208 : index
        %get3A_269 = tpu.vector_load %arg8[%get3A_267, %get3A_268] {strides = array<i32>} : memref<32x768xf32, #tpu.memory_space<vmem>>, vector<1x16xf32>,
        %get3A_270 = vector.shape_cast %get3A_269 : vector<1x16xf32> to vector<16xf32>
        %get3A_271 = arith.index_cast %scan3A_8 : i32 to index
        %get3A_272 = arith.constant 208 : index
        %get3A_273 = tpu.vector_load %arg6[%get3A_271, %get3A_272] {strides = array<i32>} : memref<32x768xf32, #tpu.memory_space<vmem>>, vector<1x16xf32>,
        %get3A_274 = vector.shape_cast %get3A_273 : vector<1x16xf32> to vector<16xf32>
        %add3A_275 = arith.addf %get3A_270, %get3A_274 : vector<16xf32>
        %get3A_276 = arith.index_cast %scan3A_21 : i32 to index
        %get3A_277 = arith.constant 208 : index
        %get3A_278 = tpu.vector_load %arg7[%get3A_276, %get3A_277] {strides = array<i32>} : memref<32x768xf32, #tpu.memory_space<vmem>>, vector<1x16xf32>,
        %get3A_279 = vector.shape_cast %get3A_278 : vector<1x16xf32> to vector<16xf32>
        %add3A_280 = arith.addf %add3A_275, %get3A_279 : vector<16xf32>
        %swap3A_281 = arith.index_cast %scan3A_21 : i32 to index
        %swap3A_282 = arith.constant 208 : index
        %swap3A_283 = tpu.vector_load %arg8[%swap3A_281, %swap3A_282] {strides = array<i32>} : memref<32x768xf32, #tpu.memory_space<vmem>>, vector<1x16xf32>,
        %swap3A_284 = vector.shape_cast %swap3A_283 : vector<1x16xf32> to vector<16xf32>
        %swap3A_285 = vector.shape_cast %add3A_280 : vector<16xf32> to vector<1x16xf32>
        tpu.vector_store %arg8[%swap3A_281, %swap3A_282], %swap3A_285 {strides = array<i32>} : memref<32x768xf32, #tpu.memory_space<vmem>>, vector<1x16xf32>,
        %get3A_286 = arith.index_cast %scan3A_21 : i32 to index
        %get3A_287 = arith.constant 224 : index
        %get3A_288 = tpu.vector_load %arg8[%get3A_286, %get3A_287] {strides = array<i32>} : memref<32x768xf32, #tpu.memory_space<vmem>>, vector<1x16xf32>,
        %get3A_289 = vector.shape_cast %get3A_288 : vector<1x16xf32> to vector<16xf32>
        %get3A_290 = arith.index_cast %scan3A_8 : i32 to index
        %get3A_291 = arith.constant 224 : index
        %get3A_292 = tpu.vector_load %arg6[%get3A_290, %get3A_291] {strides = array<i32>} : memref<32x768xf32, #tpu.memory_space<vmem>>, vector<1x16xf32>,
        %get3A_293 = vector.shape_cast %get3A_292 : vector<1x16xf32> to vector<16xf32>
        %add3A_294 = arith.addf %get3A_289, %get3A_293 : vector<16xf32>
        %get3A_295 = arith.index_cast %scan3A_21 : i32 to index
        %get3A_296 = arith.constant 224 : index
        %get3A_297 = tpu.vector_load %arg7[%get3A_295, %get3A_296] {strides = array<i32>} : memref<32x768xf32, #tpu.memory_space<vmem>>, vector<1x16xf32>,
        %get3A_298 = vector.shape_cast %get3A_297 : vector<1x16xf32> to vector<16xf32>
        %add3A_299 = arith.addf %add3A_294, %get3A_298 : vector<16xf32>
        %swap3A_300 = arith.index_cast %scan3A_21 : i32 to index
        %swap3A_301 = arith.constant 224 : index
        %swap3A_302 = tpu.vector_load %arg8[%swap3A_300, %swap3A_301] {strides = array<i32>} : memref<32x768xf32, #tpu.memory_space<vmem>>, vector<1x16xf32>,
        %swap3A_303 = vector.shape_cast %swap3A_302 : vector<1x16xf32> to vector<16xf32>
        %swap3A_304 = vector.shape_cast %add3A_299 : vector<16xf32> to vector<1x16xf32>
        tpu.vector_store %arg8[%swap3A_300, %swap3A_301], %swap3A_304 {strides = array<i32>} : memref<32x768xf32, #tpu.memory_space<vmem>>, vector<1x16xf32>,
        %get3A_305 = arith.index_cast %scan3A_21 : i32 to index
        %get3A_306 = arith.constant 240 : index
        %get3A_307 = tpu.vector_load %arg8[%get3A_305, %get3A_306] {strides = array<i32>} : memref<32x768xf32, #tpu.memory_space<vmem>>, vector<1x16xf32>,
        %get3A_308 = vector.shape_cast %get3A_307 : vector<1x16xf32> to vector<16xf32>
        %get3A_309 = arith.index_cast %scan3A_8 : i32 to index
        %get3A_310 = arith.constant 240 : index
        %get3A_311 = tpu.vector_load %arg6[%get3A_309, %get3A_310] {strides = array<i32>} : memref<32x768xf32, #tpu.memory_space<vmem>>, vector<1x16xf32>,
        %get3A_312 = vector.shape_cast %get3A_311 : vector<1x16xf32> to vector<16xf32>
        %add3A_313 = arith.addf %get3A_308, %get3A_312 : vector<16xf32>
        %get3A_314 = arith.index_cast %scan3A_21 : i32 to index
        %get3A_315 = arith.constant 240 : index
        %get3A_316 = tpu.vector_load %arg7[%get3A_314, %get3A_315] {strides = array<i32>} : memref<32x768xf32, #tpu.memory_space<vmem>>, vector<1x16xf32>,
        %get3A_317 = vector.shape_cast %get3A_316 : vector<1x16xf32> to vector<16xf32>
        %add3A_318 = arith.addf %add3A_313, %get3A_317 : vector<16xf32>
        %swap3A_319 = arith.index_cast %scan3A_21 : i32 to index
        %swap3A_320 = arith.constant 240 : index
        %swap3A_321 = tpu.vector_load %arg8[%swap3A_319, %swap3A_320] {strides = array<i32>} : memref<32x768xf32, #tpu.memory_space<vmem>>, vector<1x16xf32>,
        %swap3A_322 = vector.shape_cast %swap3A_321 : vector<1x16xf32> to vector<16xf32>
        %swap3A_323 = vector.shape_cast %add3A_318 : vector<16xf32> to vector<1x16xf32>
        tpu.vector_store %arg8[%swap3A_319, %swap3A_320], %swap3A_323 {strides = array<i32>} : memref<32x768xf32, #tpu.memory_space<vmem>>, vector<1x16xf32>,
        %get3A_324 = arith.index_cast %scan3A_21 : i32 to index
        %get3A_325 = arith.constant 256 : index
        %get3A_326 = tpu.vector_load %arg8[%get3A_324, %get3A_325] {strides = array<i32>} : memref<32x768xf32, #tpu.memory_space<vmem>>, vector<1x16xf32>,
        %get3A_327 = vector.shape_cast %get3A_326 : vector<1x16xf32> to vector<16xf32>
        %get3A_328 = arith.index_cast %scan3A_8 : i32 to index
        %get3A_329 = arith.constant 256 : index
        %get3A_330 = tpu.vector_load %arg6[%get3A_328, %get3A_329] {strides = array<i32>} : memref<32x768xf32, #tpu.memory_space<vmem>>, vector<1x16xf32>,
        %get3A_331 = vector.shape_cast %get3A_330 : vector<1x16xf32> to vector<16xf32>
        %add3A_332 = arith.addf %get3A_327, %get3A_331 : vector<16xf32>
        %get3A_333 = arith.index_cast %scan3A_21 : i32 to index
        %get3A_334 = arith.constant 256 : index
        %get3A_335 = tpu.vector_load %arg7[%get3A_333, %get3A_334] {strides = array<i32>} : memref<32x768xf32, #tpu.memory_space<vmem>>, vector<1x16xf32>,
        %get3A_336 = vector.shape_cast %get3A_335 : vector<1x16xf32> to vector<16xf32>
        %add3A_337 = arith.addf %add3A_332, %get3A_336 : vector<16xf32>
        %swap3A_338 = arith.index_cast %scan3A_21 : i32 to index
        %swap3A_339 = arith.constant 256 : index
        %swap3A_340 = tpu.vector_load %arg8[%swap3A_338, %swap3A_339] {strides = array<i32>} : memref<32x768xf32, #tpu.memory_space<vmem>>, vector<1x16xf32>,
        %swap3A_341 = vector.shape_cast %swap3A_340 : vector<1x16xf32> to vector<16xf32>
        %swap3A_342 = vector.shape_cast %add3A_337 : vector<16xf32> to vector<1x16xf32>
        tpu.vector_store %arg8[%swap3A_338, %swap3A_339], %swap3A_342 {strides = array<i32>} : memref<32x768xf32, #tpu.memory_space<vmem>>, vector<1x16xf32>,
        %get3A_343 = arith.index_cast %scan3A_21 : i32 to index
        %get3A_344 = arith.constant 272 : index
        %get3A_345 = tpu.vector_load %arg8[%get3A_343, %get3A_344] {strides = array<i32>} : memref<32x768xf32, #tpu.memory_space<vmem>>, vector<1x16xf32>,
        %get3A_346 = vector.shape_cast %get3A_345 : vector<1x16xf32> to vector<16xf32>
        %get3A_347 = arith.index_cast %scan3A_8 : i32 to index
        %get3A_348 = arith.constant 272 : index
        %get3A_349 = tpu.vector_load %arg6[%get3A_347, %get3A_348] {strides = array<i32>} : memref<32x768xf32, #tpu.memory_space<vmem>>, vector<1x16xf32>,
        %get3A_350 = vector.shape_cast %get3A_349 : vector<1x16xf32> to vector<16xf32>
        %add3A_351 = arith.addf %get3A_346, %get3A_350 : vector<16xf32>
        %get3A_352 = arith.index_cast %scan3A_21 : i32 to index
        %get3A_353 = arith.constant 272 : index
        %get3A_354 = tpu.vector_load %arg7[%get3A_352, %get3A_353] {strides = array<i32>} : memref<32x768xf32, #tpu.memory_space<vmem>>, vector<1x16xf32>,
        %get3A_355 = vector.shape_cast %get3A_354 : vector<1x16xf32> to vector<16xf32>
        %add3A_356 = arith.addf %add3A_351, %get3A_355 : vector<16xf32>
        %swap3A_357 = arith.index_cast %scan3A_21 : i32 to index
        %swap3A_358 = arith.constant 272 : index
        %swap3A_359 = tpu.vector_load %arg8[%swap3A_357, %swap3A_358] {strides = array<i32>} : memref<32x768xf32, #tpu.memory_space<vmem>>, vector<1x16xf32>,
        %swap3A_360 = vector.shape_cast %swap3A_359 : vector<1x16xf32> to vector<16xf32>
        %swap3A_361 = vector.shape_cast %add3A_356 : vector<16xf32> to vector<1x16xf32>
        tpu.vector_store %arg8[%swap3A_357, %swap3A_358], %swap3A_361 {strides = array<i32>} : memref<32x768xf32, #tpu.memory_space<vmem>>, vector<1x16xf32>,
        %get3A_362 = arith.index_cast %scan3A_21 : i32 to index
        %get3A_363 = arith.constant 288 : index
        %get3A_364 = tpu.vector_load %arg8[%get3A_362, %get3A_363] {strides = array<i32>} : memref<32x768xf32, #tpu.memory_space<vmem>>, vector<1x16xf32>,
        %get3A_365 = vector.shape_cast %get3A_364 : vector<1x16xf32> to vector<16xf32>
        %get3A_366 = arith.index_cast %scan3A_8 : i32 to index
        %get3A_367 = arith.constant 288 : index
        %get3A_368 = tpu.vector_load %arg6[%get3A_366, %get3A_367] {strides = array<i32>} : memref<32x768xf32, #tpu.memory_space<vmem>>, vector<1x16xf32>,
        %get3A_369 = vector.shape_cast %get3A_368 : vector<1x16xf32> to vector<16xf32>
        %add3A_370 = arith.addf %get3A_365, %get3A_369 : vector<16xf32>
        %get3A_371 = arith.index_cast %scan3A_21 : i32 to index
        %get3A_372 = arith.constant 288 : index
        %get3A_373 = tpu.vector_load %arg7[%get3A_371, %get3A_372] {strides = array<i32>} : memref<32x768xf32, #tpu.memory_space<vmem>>, vector<1x16xf32>,
        %get3A_374 = vector.shape_cast %get3A_373 : vector<1x16xf32> to vector<16xf32>
        %add3A_375 = arith.addf %add3A_370, %get3A_374 : vector<16xf32>
        %swap3A_376 = arith.index_cast %scan3A_21 : i32 to index
        %swap3A_377 = arith.constant 288 : index
        %swap3A_378 = tpu.vector_load %arg8[%swap3A_376, %swap3A_377] {strides = array<i32>} : memref<32x768xf32, #tpu.memory_space<vmem>>, vector<1x16xf32>,
        %swap3A_379 = vector.shape_cast %swap3A_378 : vector<1x16xf32> to vector<16xf32>
        %swap3A_380 = vector.shape_cast %add3A_375 : vector<16xf32> to vector<1x16xf32>
        tpu.vector_store %arg8[%swap3A_376, %swap3A_377], %swap3A_380 {strides = array<i32>} : memref<32x768xf32, #tpu.memory_space<vmem>>, vector<1x16xf32>,
        %get3A_381 = arith.index_cast %scan3A_21 : i32 to index
        %get3A_382 = arith.constant 304 : index
        %get3A_383 = tpu.vector_load %arg8[%get3A_381, %get3A_382] {strides = array<i32>} : memref<32x768xf32, #tpu.memory_space<vmem>>, vector<1x16xf32>,
        %get3A_384 = vector.shape_cast %get3A_383 : vector<1x16xf32> to vector<16xf32>
        %get3A_385 = arith.index_cast %scan3A_8 : i32 to index
        %get3A_386 = arith.constant 304 : index
        %get3A_387 = tpu.vector_load %arg6[%get3A_385, %get3A_386] {strides = array<i32>} : memref<32x768xf32, #tpu.memory_space<vmem>>, vector<1x16xf32>,
        %get3A_388 = vector.shape_cast %get3A_387 : vector<1x16xf32> to vector<16xf32>
        %add3A_389 = arith.addf %get3A_384, %get3A_388 : vector<16xf32>
        %get3A_390 = arith.index_cast %scan3A_21 : i32 to index
        %get3A_391 = arith.constant 304 : index
        %get3A_392 = tpu.vector_load %arg7[%get3A_390, %get3A_391] {strides = array<i32>} : memref<32x768xf32, #tpu.memory_space<vmem>>, vector<1x16xf32>,
        %get3A_393 = vector.shape_cast %get3A_392 : vector<1x16xf32> to vector<16xf32>
        %add3A_394 = arith.addf %add3A_389, %get3A_393 : vector<16xf32>
        %swap3A_395 = arith.index_cast %scan3A_21 : i32 to index
        %swap3A_396 = arith.constant 304 : index
        %swap3A_397 = tpu.vector_load %arg8[%swap3A_395, %swap3A_396] {strides = array<i32>} : memref<32x768xf32, #tpu.memory_space<vmem>>, vector<1x16xf32>,
        %swap3A_398 = vector.shape_cast %swap3A_397 : vector<1x16xf32> to vector<16xf32>
        %swap3A_399 = vector.shape_cast %add3A_394 : vector<16xf32> to vector<1x16xf32>
        tpu.vector_store %arg8[%swap3A_395, %swap3A_396], %swap3A_399 {strides = array<i32>} : memref<32x768xf32, #tpu.memory_space<vmem>>, vector<1x16xf32>,
        %get3A_400 = arith.index_cast %scan3A_21 : i32 to index
        %get3A_401 = arith.constant 320 : index
        %get3A_402 = tpu.vector_load %arg8[%get3A_400, %get3A_401] {strides = array<i32>} : memref<32x768xf32, #tpu.memory_space<vmem>>, vector<1x16xf32>,
        %get3A_403 = vector.shape_cast %get3A_402 : vector<1x16xf32> to vector<16xf32>
        %get3A_404 = arith.index_cast %scan3A_8 : i32 to index
        %get3A_405 = arith.constant 320 : index
        %get3A_406 = tpu.vector_load %arg6[%get3A_404, %get3A_405] {strides = array<i32>} : memref<32x768xf32, #tpu.memory_space<vmem>>, vector<1x16xf32>,
        %get3A_407 = vector.shape_cast %get3A_406 : vector<1x16xf32> to vector<16xf32>
        %add3A_408 = arith.addf %get3A_403, %get3A_407 : vector<16xf32>
        %get3A_409 = arith.index_cast %scan3A_21 : i32 to index
        %get3A_410 = arith.constant 320 : index
        %get3A_411 = tpu.vector_load %arg7[%get3A_409, %get3A_410] {strides = array<i32>} : memref<32x768xf32, #tpu.memory_space<vmem>>, vector<1x16xf32>,
        %get3A_412 = vector.shape_cast %get3A_411 : vector<1x16xf32> to vector<16xf32>
        %add3A_413 = arith.addf %add3A_408, %get3A_412 : vector<16xf32>
        %swap3A_414 = arith.index_cast %scan3A_21 : i32 to index
        %swap3A_415 = arith.constant 320 : index
        %swap3A_416 = tpu.vector_load %arg8[%swap3A_414, %swap3A_415] {strides = array<i32>} : memref<32x768xf32, #tpu.memory_space<vmem>>, vector<1x16xf32>,
        %swap3A_417 = vector.shape_cast %swap3A_416 : vector<1x16xf32> to vector<16xf32>
        %swap3A_418 = vector.shape_cast %add3A_413 : vector<16xf32> to vector<1x16xf32>
        tpu.vector_store %arg8[%swap3A_414, %swap3A_415], %swap3A_418 {strides = array<i32>} : memref<32x768xf32, #tpu.memory_space<vmem>>, vector<1x16xf32>,
        %get3A_419 = arith.index_cast %scan3A_21 : i32 to index
        %get3A_420 = arith.constant 336 : index
        %get3A_421 = tpu.vector_load %arg8[%get3A_419, %get3A_420] {strides = array<i32>} : memref<32x768xf32, #tpu.memory_space<vmem>>, vector<1x16xf32>,
        %get3A_422 = vector.shape_cast %get3A_421 : vector<1x16xf32> to vector<16xf32>
        %get3A_423 = arith.index_cast %scan3A_8 : i32 to index
        %get3A_424 = arith.constant 336 : index
        %get3A_425 = tpu.vector_load %arg6[%get3A_423, %get3A_424] {strides = array<i32>} : memref<32x768xf32, #tpu.memory_space<vmem>>, vector<1x16xf32>,
        %get3A_426 = vector.shape_cast %get3A_425 : vector<1x16xf32> to vector<16xf32>
        %add3A_427 = arith.addf %get3A_422, %get3A_426 : vector<16xf32>
        %get3A_428 = arith.index_cast %scan3A_21 : i32 to index
        %get3A_429 = arith.constant 336 : index
        %get3A_430 = tpu.vector_load %arg7[%get3A_428, %get3A_429] {strides = array<i32>} : memref<32x768xf32, #tpu.memory_space<vmem>>, vector<1x16xf32>,
        %get3A_431 = vector.shape_cast %get3A_430 : vector<1x16xf32> to vector<16xf32>
        %add3A_432 = arith.addf %add3A_427, %get3A_431 : vector<16xf32>
        %swap3A_433 = arith.index_cast %scan3A_21 : i32 to index
        %swap3A_434 = arith.constant 336 : index
        %swap3A_435 = tpu.vector_load %arg8[%swap3A_433, %swap3A_434] {strides = array<i32>} : memref<32x768xf32, #tpu.memory_space<vmem>>, vector<1x16xf32>,
        %swap3A_436 = vector.shape_cast %swap3A_435 : vector<1x16xf32> to vector<16xf32>
        %swap3A_437 = vector.shape_cast %add3A_432 : vector<16xf32> to vector<1x16xf32>
        tpu.vector_store %arg8[%swap3A_433, %swap3A_434], %swap3A_437 {strides = array<i32>} : memref<32x768xf32, #tpu.memory_space<vmem>>, vector<1x16xf32>,
        %get3A_438 = arith.index_cast %scan3A_21 : i32 to index
        %get3A_439 = arith.constant 352 : index
        %get3A_440 = tpu.vector_load %arg8[%get3A_438, %get3A_439] {strides = array<i32>} : memref<32x768xf32, #tpu.memory_space<vmem>>, vector<1x16xf32>,
        %get3A_441 = vector.shape_cast %get3A_440 : vector<1x16xf32> to vector<16xf32>
        %get3A_442 = arith.index_cast %scan3A_8 : i32 to index
        %get3A_443 = arith.constant 352 : index
        %get3A_444 = tpu.vector_load %arg6[%get3A_442, %get3A_443] {strides = array<i32>} : memref<32x768xf32, #tpu.memory_space<vmem>>, vector<1x16xf32>,
        %get3A_445 = vector.shape_cast %get3A_444 : vector<1x16xf32> to vector<16xf32>
        %add3A_446 = arith.addf %get3A_441, %get3A_445 : vector<16xf32>
        %get3A_447 = arith.index_cast %scan3A_21 : i32 to index
        %get3A_448 = arith.constant 352 : index
        %get3A_449 = tpu.vector_load %arg7[%get3A_447, %get3A_448] {strides = array<i32>} : memref<32x768xf32, #tpu.memory_space<vmem>>, vector<1x16xf32>,
        %get3A_450 = vector.shape_cast %get3A_449 : vector<1x16xf32> to vector<16xf32>
        %add3A_451 = arith.addf %add3A_446, %get3A_450 : vector<16xf32>
        %swap3A_452 = arith.index_cast %scan3A_21 : i32 to index
        %swap3A_453 = arith.constant 352 : index
        %swap3A_454 = tpu.vector_load %arg8[%swap3A_452, %swap3A_453] {strides = array<i32>} : memref<32x768xf32, #tpu.memory_space<vmem>>, vector<1x16xf32>,
        %swap3A_455 = vector.shape_cast %swap3A_454 : vector<1x16xf32> to vector<16xf32>
        %swap3A_456 = vector.shape_cast %add3A_451 : vector<16xf32> to vector<1x16xf32>
        tpu.vector_store %arg8[%swap3A_452, %swap3A_453], %swap3A_456 {strides = array<i32>} : memref<32x768xf32, #tpu.memory_space<vmem>>, vector<1x16xf32>,
        %get3A_457 = arith.index_cast %scan3A_21 : i32 to index
        %get3A_458 = arith.constant 368 : index
        %get3A_459 = tpu.vector_load %arg8[%get3A_457, %get3A_458] {strides = array<i32>} : memref<32x768xf32, #tpu.memory_space<vmem>>, vector<1x16xf32>,
        %get3A_460 = vector.shape_cast %get3A_459 : vector<1x16xf32> to vector<16xf32>
        %get3A_461 = arith.index_cast %scan3A_8 : i32 to index
        %get3A_462 = arith.constant 368 : index
        %get3A_463 = tpu.vector_load %arg6[%get3A_461, %get3A_462] {strides = array<i32>} : memref<32x768xf32, #tpu.memory_space<vmem>>, vector<1x16xf32>,
        %get3A_464 = vector.shape_cast %get3A_463 : vector<1x16xf32> to vector<16xf32>
        %add3A_465 = arith.addf %get3A_460, %get3A_464 : vector<16xf32>
        %get3A_466 = arith.index_cast %scan3A_21 : i32 to index
        %get3A_467 = arith.constant 368 : index
        %get3A_468 = tpu.vector_load %arg7[%get3A_466, %get3A_467] {strides = array<i32>} : memref<32x768xf32, #tpu.memory_space<vmem>>, vector<1x16xf32>,
        %get3A_469 = vector.shape_cast %get3A_468 : vector<1x16xf32> to vector<16xf32>
        %add3A_470 = arith.addf %add3A_465, %get3A_469 : vector<16xf32>
        %swap3A_471 = arith.index_cast %scan3A_21 : i32 to index
        %swap3A_472 = arith.constant 368 : index
        %swap3A_473 = tpu.vector_load %arg8[%swap3A_471, %swap3A_472] {strides = array<i32>} : memref<32x768xf32, #tpu.memory_space<vmem>>, vector<1x16xf32>,
        %swap3A_474 = vector.shape_cast %swap3A_473 : vector<1x16xf32> to vector<16xf32>
        %swap3A_475 = vector.shape_cast %add3A_470 : vector<16xf32> to vector<1x16xf32>
        tpu.vector_store %arg8[%swap3A_471, %swap3A_472], %swap3A_475 {strides = array<i32>} : memref<32x768xf32, #tpu.memory_space<vmem>>, vector<1x16xf32>,
        %get3A_476 = arith.index_cast %scan3A_21 : i32 to index
        %get3A_477 = arith.constant 384 : index
        %get3A_478 = tpu.vector_load %arg8[%get3A_476, %get3A_477] {strides = array<i32>} : memref<32x768xf32, #tpu.memory_space<vmem>>, vector<1x16xf32>,
        %get3A_479 = vector.shape_cast %get3A_478 : vector<1x16xf32> to vector<16xf32>
        %get3A_480 = arith.index_cast %scan3A_8 : i32 to index
        %get3A_481 = arith.constant 384 : index
        %get3A_482 = tpu.vector_load %arg6[%get3A_480, %get3A_481] {strides = array<i32>} : memref<32x768xf32, #tpu.memory_space<vmem>>, vector<1x16xf32>,
        %get3A_483 = vector.shape_cast %get3A_482 : vector<1x16xf32> to vector<16xf32>
        %add3A_484 = arith.addf %get3A_479, %get3A_483 : vector<16xf32>
        %get3A_485 = arith.index_cast %scan3A_21 : i32 to index
        %get3A_486 = arith.constant 384 : index
        %get3A_487 = tpu.vector_load %arg7[%get3A_485, %get3A_486] {strides = array<i32>} : memref<32x768xf32, #tpu.memory_space<vmem>>, vector<1x16xf32>,
        %get3A_488 = vector.shape_cast %get3A_487 : vector<1x16xf32> to vector<16xf32>
        %add3A_489 = arith.addf %add3A_484, %get3A_488 : vector<16xf32>
        %swap3A_490 = arith.index_cast %scan3A_21 : i32 to index
        %swap3A_491 = arith.constant 384 : index
        %swap3A_492 = tpu.vector_load %arg8[%swap3A_490, %swap3A_491] {strides = array<i32>} : memref<32x768xf32, #tpu.memory_space<vmem>>, vector<1x16xf32>,
        %swap3A_493 = vector.shape_cast %swap3A_492 : vector<1x16xf32> to vector<16xf32>
        %swap3A_494 = vector.shape_cast %add3A_489 : vector<16xf32> to vector<1x16xf32>
        tpu.vector_store %arg8[%swap3A_490, %swap3A_491], %swap3A_494 {strides = array<i32>} : memref<32x768xf32, #tpu.memory_space<vmem>>, vector<1x16xf32>,
        %get3A_495 = arith.index_cast %scan3A_21 : i32 to index
        %get3A_496 = arith.constant 400 : index
        %get3A_497 = tpu.vector_load %arg8[%get3A_495, %get3A_496] {strides = array<i32>} : memref<32x768xf32, #tpu.memory_space<vmem>>, vector<1x16xf32>,
        %get3A_498 = vector.shape_cast %get3A_497 : vector<1x16xf32> to vector<16xf32>
        %get3A_499 = arith.index_cast %scan3A_8 : i32 to index
        %get3A_500 = arith.constant 400 : index
        %get3A_501 = tpu.vector_load %arg6[%get3A_499, %get3A_500] {strides = array<i32>} : memref<32x768xf32, #tpu.memory_space<vmem>>, vector<1x16xf32>,
        %get3A_502 = vector.shape_cast %get3A_501 : vector<1x16xf32> to vector<16xf32>
        %add3A_503 = arith.addf %get3A_498, %get3A_502 : vector<16xf32>
        %get3A_504 = arith.index_cast %scan3A_21 : i32 to index
        %get3A_505 = arith.constant 400 : index
        %get3A_506 = tpu.vector_load %arg7[%get3A_504, %get3A_505] {strides = array<i32>} : memref<32x768xf32, #tpu.memory_space<vmem>>, vector<1x16xf32>,
        %get3A_507 = vector.shape_cast %get3A_506 : vector<1x16xf32> to vector<16xf32>
        %add3A_508 = arith.addf %add3A_503, %get3A_507 : vector<16xf32>
        %swap3A_509 = arith.index_cast %scan3A_21 : i32 to index
        %swap3A_510 = arith.constant 400 : index
        %swap3A_511 = tpu.vector_load %arg8[%swap3A_509, %swap3A_510] {strides = array<i32>} : memref<32x768xf32, #tpu.memory_space<vmem>>, vector<1x16xf32>,
        %swap3A_512 = vector.shape_cast %swap3A_511 : vector<1x16xf32> to vector<16xf32>
        %swap3A_513 = vector.shape_cast %add3A_508 : vector<16xf32> to vector<1x16xf32>
        tpu.vector_store %arg8[%swap3A_509, %swap3A_510], %swap3A_513 {strides = array<i32>} : memref<32x768xf32, #tpu.memory_space<vmem>>, vector<1x16xf32>,
        %get3A_514 = arith.index_cast %scan3A_21 : i32 to index
        %get3A_515 = arith.constant 416 : index
        %get3A_516 = tpu.vector_load %arg8[%get3A_514, %get3A_515] {strides = array<i32>} : memref<32x768xf32, #tpu.memory_space<vmem>>, vector<1x16xf32>,
        %get3A_517 = vector.shape_cast %get3A_516 : vector<1x16xf32> to vector<16xf32>
        %get3A_518 = arith.index_cast %scan3A_8 : i32 to index
        %get3A_519 = arith.constant 416 : index
        %get3A_520 = tpu.vector_load %arg6[%get3A_518, %get3A_519] {strides = array<i32>} : memref<32x768xf32, #tpu.memory_space<vmem>>, vector<1x16xf32>,
        %get3A_521 = vector.shape_cast %get3A_520 : vector<1x16xf32> to vector<16xf32>
        %add3A_522 = arith.addf %get3A_517, %get3A_521 : vector<16xf32>
        %get3A_523 = arith.index_cast %scan3A_21 : i32 to index
        %get3A_524 = arith.constant 416 : index
        %get3A_525 = tpu.vector_load %arg7[%get3A_523, %get3A_524] {strides = array<i32>} : memref<32x768xf32, #tpu.memory_space<vmem>>, vector<1x16xf32>,
        %get3A_526 = vector.shape_cast %get3A_525 : vector<1x16xf32> to vector<16xf32>
        %add3A_527 = arith.addf %add3A_522, %get3A_526 : vector<16xf32>
        %swap3A_528 = arith.index_cast %scan3A_21 : i32 to index
        %swap3A_529 = arith.constant 416 : index
        %swap3A_530 = tpu.vector_load %arg8[%swap3A_528, %swap3A_529] {strides = array<i32>} : memref<32x768xf32, #tpu.memory_space<vmem>>, vector<1x16xf32>,
        %swap3A_531 = vector.shape_cast %swap3A_530 : vector<1x16xf32> to vector<16xf32>
        %swap3A_532 = vector.shape_cast %add3A_527 : vector<16xf32> to vector<1x16xf32>
        tpu.vector_store %arg8[%swap3A_528, %swap3A_529], %swap3A_532 {strides = array<i32>} : memref<32x768xf32, #tpu.memory_space<vmem>>, vector<1x16xf32>,
        %get3A_533 = arith.index_cast %scan3A_21 : i32 to index
        %get3A_534 = arith.constant 432 : index
        %get3A_535 = tpu.vector_load %arg8[%get3A_533, %get3A_534] {strides = array<i32>} : memref<32x768xf32, #tpu.memory_space<vmem>>, vector<1x16xf32>,
        %get3A_536 = vector.shape_cast %get3A_535 : vector<1x16xf32> to vector<16xf32>
        %get3A_537 = arith.index_cast %scan3A_8 : i32 to index
        %get3A_538 = arith.constant 432 : index
        %get3A_539 = tpu.vector_load %arg6[%get3A_537, %get3A_538] {strides = array<i32>} : memref<32x768xf32, #tpu.memory_space<vmem>>, vector<1x16xf32>,
        %get3A_540 = vector.shape_cast %get3A_539 : vector<1x16xf32> to vector<16xf32>
        %add3A_541 = arith.addf %get3A_536, %get3A_540 : vector<16xf32>
        %get3A_542 = arith.index_cast %scan3A_21 : i32 to index
        %get3A_543 = arith.constant 432 : index
        %get3A_544 = tpu.vector_load %arg7[%get3A_542, %get3A_543] {strides = array<i32>} : memref<32x768xf32, #tpu.memory_space<vmem>>, vector<1x16xf32>,
        %get3A_545 = vector.shape_cast %get3A_544 : vector<1x16xf32> to vector<16xf32>
        %add3A_546 = arith.addf %add3A_541, %get3A_545 : vector<16xf32>
        %swap3A_547 = arith.index_cast %scan3A_21 : i32 to index
        %swap3A_548 = arith.constant 432 : index
        %swap3A_549 = tpu.vector_load %arg8[%swap3A_547, %swap3A_548] {strides = array<i32>} : memref<32x768xf32, #tpu.memory_space<vmem>>, vector<1x16xf32>,
        %swap3A_550 = vector.shape_cast %swap3A_549 : vector<1x16xf32> to vector<16xf32>
        %swap3A_551 = vector.shape_cast %add3A_546 : vector<16xf32> to vector<1x16xf32>
        tpu.vector_store %arg8[%swap3A_547, %swap3A_548], %swap3A_551 {strides = array<i32>} : memref<32x768xf32, #tpu.memory_space<vmem>>, vector<1x16xf32>,
        %get3A_552 = arith.index_cast %scan3A_21 : i32 to index
        %get3A_553 = arith.constant 448 : index
        %get3A_554 = tpu.vector_load %arg8[%get3A_552, %get3A_553] {strides = array<i32>} : memref<32x768xf32, #tpu.memory_space<vmem>>, vector<1x16xf32>,
        %get3A_555 = vector.shape_cast %get3A_554 : vector<1x16xf32> to vector<16xf32>
        %get3A_556 = arith.index_cast %scan3A_8 : i32 to index
        %get3A_557 = arith.constant 448 : index
        %get3A_558 = tpu.vector_load %arg6[%get3A_556, %get3A_557] {strides = array<i32>} : memref<32x768xf32, #tpu.memory_space<vmem>>, vector<1x16xf32>,
        %get3A_559 = vector.shape_cast %get3A_558 : vector<1x16xf32> to vector<16xf32>
        %add3A_560 = arith.addf %get3A_555, %get3A_559 : vector<16xf32>
        %get3A_561 = arith.index_cast %scan3A_21 : i32 to index
        %get3A_562 = arith.constant 448 : index
        %get3A_563 = tpu.vector_load %arg7[%get3A_561, %get3A_562] {strides = array<i32>} : memref<32x768xf32, #tpu.memory_space<vmem>>, vector<1x16xf32>,
        %get3A_564 = vector.shape_cast %get3A_563 : vector<1x16xf32> to vector<16xf32>
        %add3A_565 = arith.addf %add3A_560, %get3A_564 : vector<16xf32>
        %swap3A_566 = arith.index_cast %scan3A_21 : i32 to index
        %swap3A_567 = arith.constant 448 : index
        %swap3A_568 = tpu.vector_load %arg8[%swap3A_566, %swap3A_567] {strides = array<i32>} : memref<32x768xf32, #tpu.memory_space<vmem>>, vector<1x16xf32>,
        %swap3A_569 = vector.shape_cast %swap3A_568 : vector<1x16xf32> to vector<16xf32>
        %swap3A_570 = vector.shape_cast %add3A_565 : vector<16xf32> to vector<1x16xf32>
        tpu.vector_store %arg8[%swap3A_566, %swap3A_567], %swap3A_570 {strides = array<i32>} : memref<32x768xf32, #tpu.memory_space<vmem>>, vector<1x16xf32>,
        %get3A_571 = arith.index_cast %scan3A_21 : i32 to index
        %get3A_572 = arith.constant 464 : index
        %get3A_573 = tpu.vector_load %arg8[%get3A_571, %get3A_572] {strides = array<i32>} : memref<32x768xf32, #tpu.memory_space<vmem>>, vector<1x16xf32>,
        %get3A_574 = vector.shape_cast %get3A_573 : vector<1x16xf32> to vector<16xf32>
        %get3A_575 = arith.index_cast %scan3A_8 : i32 to index
        %get3A_576 = arith.constant 464 : index
        %get3A_577 = tpu.vector_load %arg6[%get3A_575, %get3A_576] {strides = array<i32>} : memref<32x768xf32, #tpu.memory_space<vmem>>, vector<1x16xf32>,
        %get3A_578 = vector.shape_cast %get3A_577 : vector<1x16xf32> to vector<16xf32>
        %add3A_579 = arith.addf %get3A_574, %get3A_578 : vector<16xf32>
        %get3A_580 = arith.index_cast %scan3A_21 : i32 to index
        %get3A_581 = arith.constant 464 : index
        %get3A_582 = tpu.vector_load %arg7[%get3A_580, %get3A_581] {strides = array<i32>} : memref<32x768xf32, #tpu.memory_space<vmem>>, vector<1x16xf32>,
        %get3A_583 = vector.shape_cast %get3A_582 : vector<1x16xf32> to vector<16xf32>
        %add3A_584 = arith.addf %add3A_579, %get3A_583 : vector<16xf32>
        %swap3A_585 = arith.index_cast %scan3A_21 : i32 to index
        %swap3A_586 = arith.constant 464 : index
        %swap3A_587 = tpu.vector_load %arg8[%swap3A_585, %swap3A_586] {strides = array<i32>} : memref<32x768xf32, #tpu.memory_space<vmem>>, vector<1x16xf32>,
        %swap3A_588 = vector.shape_cast %swap3A_587 : vector<1x16xf32> to vector<16xf32>
        %swap3A_589 = vector.shape_cast %add3A_584 : vector<16xf32> to vector<1x16xf32>
        tpu.vector_store %arg8[%swap3A_585, %swap3A_586], %swap3A_589 {strides = array<i32>} : memref<32x768xf32, #tpu.memory_space<vmem>>, vector<1x16xf32>,
        %get3A_590 = arith.index_cast %scan3A_21 : i32 to index
        %get3A_591 = arith.constant 480 : index
        %get3A_592 = tpu.vector_load %arg8[%get3A_590, %get3A_591] {strides = array<i32>} : memref<32x768xf32, #tpu.memory_space<vmem>>, vector<1x16xf32>,
        %get3A_593 = vector.shape_cast %get3A_592 : vector<1x16xf32> to vector<16xf32>
        %get3A_594 = arith.index_cast %scan3A_8 : i32 to index
        %get3A_595 = arith.constant 480 : index
        %get3A_596 = tpu.vector_load %arg6[%get3A_594, %get3A_595] {strides = array<i32>} : memref<32x768xf32, #tpu.memory_space<vmem>>, vector<1x16xf32>,
        %get3A_597 = vector.shape_cast %get3A_596 : vector<1x16xf32> to vector<16xf32>
        %add3A_598 = arith.addf %get3A_593, %get3A_597 : vector<16xf32>
        %get3A_599 = arith.index_cast %scan3A_21 : i32 to index
        %get3A_600 = arith.constant 480 : index
        %get3A_601 = tpu.vector_load %arg7[%get3A_599, %get3A_600] {strides = array<i32>} : memref<32x768xf32, #tpu.memory_space<vmem>>, vector<1x16xf32>,
        %get3A_602 = vector.shape_cast %get3A_601 : vector<1x16xf32> to vector<16xf32>
        %add3A_603 = arith.addf %add3A_598, %get3A_602 : vector<16xf32>
        %swap3A_604 = arith.index_cast %scan3A_21 : i32 to index
        %swap3A_605 = arith.constant 480 : index
        %swap3A_606 = tpu.vector_load %arg8[%swap3A_604, %swap3A_605] {strides = array<i32>} : memref<32x768xf32, #tpu.memory_space<vmem>>, vector<1x16xf32>,
        %swap3A_607 = vector.shape_cast %swap3A_606 : vector<1x16xf32> to vector<16xf32>
        %swap3A_608 = vector.shape_cast %add3A_603 : vector<16xf32> to vector<1x16xf32>
        tpu.vector_store %arg8[%swap3A_604, %swap3A_605], %swap3A_608 {strides = array<i32>} : memref<32x768xf32, #tpu.memory_space<vmem>>, vector<1x16xf32>,
        %get3A_609 = arith.index_cast %scan3A_21 : i32 to index
        %get3A_610 = arith.constant 496 : index
        %get3A_611 = tpu.vector_load %arg8[%get3A_609, %get3A_610] {strides = array<i32>} : memref<32x768xf32, #tpu.memory_space<vmem>>, vector<1x16xf32>,
        %get3A_612 = vector.shape_cast %get3A_611 : vector<1x16xf32> to vector<16xf32>
        %get3A_613 = arith.index_cast %scan3A_8 : i32 to index
        %get3A_614 = arith.constant 496 : index
        %get3A_615 = tpu.vector_load %arg6[%get3A_613, %get3A_614] {strides = array<i32>} : memref<32x768xf32, #tpu.memory_space<vmem>>, vector<1x16xf32>,
        %get3A_616 = vector.shape_cast %get3A_615 : vector<1x16xf32> to vector<16xf32>
        %add3A_617 = arith.addf %get3A_612, %get3A_616 : vector<16xf32>
        %get3A_618 = arith.index_cast %scan3A_21 : i32 to index
        %get3A_619 = arith.constant 496 : index
        %get3A_620 = tpu.vector_load %arg7[%get3A_618, %get3A_619] {strides = array<i32>} : memref<32x768xf32, #tpu.memory_space<vmem>>, vector<1x16xf32>,
        %get3A_621 = vector.shape_cast %get3A_620 : vector<1x16xf32> to vector<16xf32>
        %add3A_622 = arith.addf %add3A_617, %get3A_621 : vector<16xf32>
        %swap3A_623 = arith.index_cast %scan3A_21 : i32 to index
        %swap3A_624 = arith.constant 496 : index
        %swap3A_625 = tpu.vector_load %arg8[%swap3A_623, %swap3A_624] {strides = array<i32>} : memref<32x768xf32, #tpu.memory_space<vmem>>, vector<1x16xf32>,
        %swap3A_626 = vector.shape_cast %swap3A_625 : vector<1x16xf32> to vector<16xf32>
        %swap3A_627 = vector.shape_cast %add3A_622 : vector<16xf32> to vector<1x16xf32>
        tpu.vector_store %arg8[%swap3A_623, %swap3A_624], %swap3A_627 {strides = array<i32>} : memref<32x768xf32, #tpu.memory_space<vmem>>, vector<1x16xf32>,
        %get3A_628 = arith.index_cast %scan3A_21 : i32 to index
        %get3A_629 = arith.constant 512 : index
        %get3A_630 = tpu.vector_load %arg8[%get3A_628, %get3A_629] {strides = array<i32>} : memref<32x768xf32, #tpu.memory_space<vmem>>, vector<1x16xf32>,
        %get3A_631 = vector.shape_cast %get3A_630 : vector<1x16xf32> to vector<16xf32>
        %get3A_632 = arith.index_cast %scan3A_8 : i32 to index
        %get3A_633 = arith.constant 512 : index
        %get3A_634 = tpu.vector_load %arg6[%get3A_632, %get3A_633] {strides = array<i32>} : memref<32x768xf32, #tpu.memory_space<vmem>>, vector<1x16xf32>,
        %get3A_635 = vector.shape_cast %get3A_634 : vector<1x16xf32> to vector<16xf32>
        %add3A_636 = arith.addf %get3A_631, %get3A_635 : vector<16xf32>
        %get3A_637 = arith.index_cast %scan3A_21 : i32 to index
        %get3A_638 = arith.constant 512 : index
        %get3A_639 = tpu.vector_load %arg7[%get3A_637, %get3A_638] {strides = array<i32>} : memref<32x768xf32, #tpu.memory_space<vmem>>, vector<1x16xf32>,
        %get3A_640 = vector.shape_cast %get3A_639 : vector<1x16xf32> to vector<16xf32>
        %add3A_641 = arith.addf %add3A_636, %get3A_640 : vector<16xf32>
        %swap3A_642 = arith.index_cast %scan3A_21 : i32 to index
        %swap3A_643 = arith.constant 512 : index
        %swap3A_644 = tpu.vector_load %arg8[%swap3A_642, %swap3A_643] {strides = array<i32>} : memref<32x768xf32, #tpu.memory_space<vmem>>, vector<1x16xf32>,
        %swap3A_645 = vector.shape_cast %swap3A_644 : vector<1x16xf32> to vector<16xf32>
        %swap3A_646 = vector.shape_cast %add3A_641 : vector<16xf32> to vector<1x16xf32>
        tpu.vector_store %arg8[%swap3A_642, %swap3A_643], %swap3A_646 {strides = array<i32>} : memref<32x768xf32, #tpu.memory_space<vmem>>, vector<1x16xf32>,
        %get3A_647 = arith.index_cast %scan3A_21 : i32 to index
        %get3A_648 = arith.constant 528 : index
        %get3A_649 = tpu.vector_load %arg8[%get3A_647, %get3A_648] {strides = array<i32>} : memref<32x768xf32, #tpu.memory_space<vmem>>, vector<1x16xf32>,
        %get3A_650 = vector.shape_cast %get3A_649 : vector<1x16xf32> to vector<16xf32>
        %get3A_651 = arith.index_cast %scan3A_8 : i32 to index
        %get3A_652 = arith.constant 528 : index
        %get3A_653 = tpu.vector_load %arg6[%get3A_651, %get3A_652] {strides = array<i32>} : memref<32x768xf32, #tpu.memory_space<vmem>>, vector<1x16xf32>,
        %get3A_654 = vector.shape_cast %get3A_653 : vector<1x16xf32> to vector<16xf32>
        %add3A_655 = arith.addf %get3A_650, %get3A_654 : vector<16xf32>
        %get3A_656 = arith.index_cast %scan3A_21 : i32 to index
        %get3A_657 = arith.constant 528 : index
        %get3A_658 = tpu.vector_load %arg7[%get3A_656, %get3A_657] {strides = array<i32>} : memref<32x768xf32, #tpu.memory_space<vmem>>, vector<1x16xf32>,
        %get3A_659 = vector.shape_cast %get3A_658 : vector<1x16xf32> to vector<16xf32>
        %add3A_660 = arith.addf %add3A_655, %get3A_659 : vector<16xf32>
        %swap3A_661 = arith.index_cast %scan3A_21 : i32 to index
        %swap3A_662 = arith.constant 528 : index
        %swap3A_663 = tpu.vector_load %arg8[%swap3A_661, %swap3A_662] {strides = array<i32>} : memref<32x768xf32, #tpu.memory_space<vmem>>, vector<1x16xf32>,
        %swap3A_664 = vector.shape_cast %swap3A_663 : vector<1x16xf32> to vector<16xf32>
        %swap3A_665 = vector.shape_cast %add3A_660 : vector<16xf32> to vector<1x16xf32>
        tpu.vector_store %arg8[%swap3A_661, %swap3A_662], %swap3A_665 {strides = array<i32>} : memref<32x768xf32, #tpu.memory_space<vmem>>, vector<1x16xf32>,
        %get3A_666 = arith.index_cast %scan3A_21 : i32 to index
        %get3A_667 = arith.constant 544 : index
        %get3A_668 = tpu.vector_load %arg8[%get3A_666, %get3A_667] {strides = array<i32>} : memref<32x768xf32, #tpu.memory_space<vmem>>, vector<1x16xf32>,
        %get3A_669 = vector.shape_cast %get3A_668 : vector<1x16xf32> to vector<16xf32>
        %get3A_670 = arith.index_cast %scan3A_8 : i32 to index
        %get3A_671 = arith.constant 544 : index
        %get3A_672 = tpu.vector_load %arg6[%get3A_670, %get3A_671] {strides = array<i32>} : memref<32x768xf32, #tpu.memory_space<vmem>>, vector<1x16xf32>,
        %get3A_673 = vector.shape_cast %get3A_672 : vector<1x16xf32> to vector<16xf32>
        %add3A_674 = arith.addf %get3A_669, %get3A_673 : vector<16xf32>
        %get3A_675 = arith.index_cast %scan3A_21 : i32 to index
        %get3A_676 = arith.constant 544 : index
        %get3A_677 = tpu.vector_load %arg7[%get3A_675, %get3A_676] {strides = array<i32>} : memref<32x768xf32, #tpu.memory_space<vmem>>, vector<1x16xf32>,
        %get3A_678 = vector.shape_cast %get3A_677 : vector<1x16xf32> to vector<16xf32>
        %add3A_679 = arith.addf %add3A_674, %get3A_678 : vector<16xf32>
        %swap3A_680 = arith.index_cast %scan3A_21 : i32 to index
        %swap3A_681 = arith.constant 544 : index
        %swap3A_682 = tpu.vector_load %arg8[%swap3A_680, %swap3A_681] {strides = array<i32>} : memref<32x768xf32, #tpu.memory_space<vmem>>, vector<1x16xf32>,
        %swap3A_683 = vector.shape_cast %swap3A_682 : vector<1x16xf32> to vector<16xf32>
        %swap3A_684 = vector.shape_cast %add3A_679 : vector<16xf32> to vector<1x16xf32>
        tpu.vector_store %arg8[%swap3A_680, %swap3A_681], %swap3A_684 {strides = array<i32>} : memref<32x768xf32, #tpu.memory_space<vmem>>, vector<1x16xf32>,
        %get3A_685 = arith.index_cast %scan3A_21 : i32 to index
        %get3A_686 = arith.constant 560 : index
        %get3A_687 = tpu.vector_load %arg8[%get3A_685, %get3A_686] {strides = array<i32>} : memref<32x768xf32, #tpu.memory_space<vmem>>, vector<1x16xf32>,
        %get3A_688 = vector.shape_cast %get3A_687 : vector<1x16xf32> to vector<16xf32>
        %get3A_689 = arith.index_cast %scan3A_8 : i32 to index
        %get3A_690 = arith.constant 560 : index
        %get3A_691 = tpu.vector_load %arg6[%get3A_689, %get3A_690] {strides = array<i32>} : memref<32x768xf32, #tpu.memory_space<vmem>>, vector<1x16xf32>,
        %get3A_692 = vector.shape_cast %get3A_691 : vector<1x16xf32> to vector<16xf32>
        %add3A_693 = arith.addf %get3A_688, %get3A_692 : vector<16xf32>
        %get3A_694 = arith.index_cast %scan3A_21 : i32 to index
        %get3A_695 = arith.constant 560 : index
        %get3A_696 = tpu.vector_load %arg7[%get3A_694, %get3A_695] {strides = array<i32>} : memref<32x768xf32, #tpu.memory_space<vmem>>, vector<1x16xf32>,
        %get3A_697 = vector.shape_cast %get3A_696 : vector<1x16xf32> to vector<16xf32>
        %add3A_698 = arith.addf %add3A_693, %get3A_697 : vector<16xf32>
        %swap3A_699 = arith.index_cast %scan3A_21 : i32 to index
        %swap3A_700 = arith.constant 560 : index
        %swap3A_701 = tpu.vector_load %arg8[%swap3A_699, %swap3A_700] {strides = array<i32>} : memref<32x768xf32, #tpu.memory_space<vmem>>, vector<1x16xf32>,
        %swap3A_702 = vector.shape_cast %swap3A_701 : vector<1x16xf32> to vector<16xf32>
        %swap3A_703 = vector.shape_cast %add3A_698 : vector<16xf32> to vector<1x16xf32>
        tpu.vector_store %arg8[%swap3A_699, %swap3A_700], %swap3A_703 {strides = array<i32>} : memref<32x768xf32, #tpu.memory_space<vmem>>, vector<1x16xf32>,
        %get3A_704 = arith.index_cast %scan3A_21 : i32 to index
        %get3A_705 = arith.constant 576 : index
        %get3A_706 = tpu.vector_load %arg8[%get3A_704, %get3A_705] {strides = array<i32>} : memref<32x768xf32, #tpu.memory_space<vmem>>, vector<1x16xf32>,
        %get3A_707 = vector.shape_cast %get3A_706 : vector<1x16xf32> to vector<16xf32>
        %get3A_708 = arith.index_cast %scan3A_8 : i32 to index
        %get3A_709 = arith.constant 576 : index
        %get3A_710 = tpu.vector_load %arg6[%get3A_708, %get3A_709] {strides = array<i32>} : memref<32x768xf32, #tpu.memory_space<vmem>>, vector<1x16xf32>,
        %get3A_711 = vector.shape_cast %get3A_710 : vector<1x16xf32> to vector<16xf32>
        %add3A_712 = arith.addf %get3A_707, %get3A_711 : vector<16xf32>
        %get3A_713 = arith.index_cast %scan3A_21 : i32 to index
        %get3A_714 = arith.constant 576 : index
        %get3A_715 = tpu.vector_load %arg7[%get3A_713, %get3A_714] {strides = array<i32>} : memref<32x768xf32, #tpu.memory_space<vmem>>, vector<1x16xf32>,
        %get3A_716 = vector.shape_cast %get3A_715 : vector<1x16xf32> to vector<16xf32>
        %add3A_717 = arith.addf %add3A_712, %get3A_716 : vector<16xf32>
        %swap3A_718 = arith.index_cast %scan3A_21 : i32 to index
        %swap3A_719 = arith.constant 576 : index
        %swap3A_720 = tpu.vector_load %arg8[%swap3A_718, %swap3A_719] {strides = array<i32>} : memref<32x768xf32, #tpu.memory_space<vmem>>, vector<1x16xf32>,
        %swap3A_721 = vector.shape_cast %swap3A_720 : vector<1x16xf32> to vector<16xf32>
        %swap3A_722 = vector.shape_cast %add3A_717 : vector<16xf32> to vector<1x16xf32>
        tpu.vector_store %arg8[%swap3A_718, %swap3A_719], %swap3A_722 {strides = array<i32>} : memref<32x768xf32, #tpu.memory_space<vmem>>, vector<1x16xf32>,
        %get3A_723 = arith.index_cast %scan3A_21 : i32 to index
        %get3A_724 = arith.constant 592 : index
        %get3A_725 = tpu.vector_load %arg8[%get3A_723, %get3A_724] {strides = array<i32>} : memref<32x768xf32, #tpu.memory_space<vmem>>, vector<1x16xf32>,
        %get3A_726 = vector.shape_cast %get3A_725 : vector<1x16xf32> to vector<16xf32>
        %get3A_727 = arith.index_cast %scan3A_8 : i32 to index
        %get3A_728 = arith.constant 592 : index
        %get3A_729 = tpu.vector_load %arg6[%get3A_727, %get3A_728] {strides = array<i32>} : memref<32x768xf32, #tpu.memory_space<vmem>>, vector<1x16xf32>,
        %get3A_730 = vector.shape_cast %get3A_729 : vector<1x16xf32> to vector<16xf32>
        %add3A_731 = arith.addf %get3A_726, %get3A_730 : vector<16xf32>
        %get3A_732 = arith.index_cast %scan3A_21 : i32 to index
        %get3A_733 = arith.constant 592 : index
        %get3A_734 = tpu.vector_load %arg7[%get3A_732, %get3A_733] {strides = array<i32>} : memref<32x768xf32, #tpu.memory_space<vmem>>, vector<1x16xf32>,
        %get3A_735 = vector.shape_cast %get3A_734 : vector<1x16xf32> to vector<16xf32>
        %add3A_736 = arith.addf %add3A_731, %get3A_735 : vector<16xf32>
        %swap3A_737 = arith.index_cast %scan3A_21 : i32 to index
        %swap3A_738 = arith.constant 592 : index
        %swap3A_739 = tpu.vector_load %arg8[%swap3A_737, %swap3A_738] {strides = array<i32>} : memref<32x768xf32, #tpu.memory_space<vmem>>, vector<1x16xf32>,
        %swap3A_740 = vector.shape_cast %swap3A_739 : vector<1x16xf32> to vector<16xf32>
        %swap3A_741 = vector.shape_cast %add3A_736 : vector<16xf32> to vector<1x16xf32>
        tpu.vector_store %arg8[%swap3A_737, %swap3A_738], %swap3A_741 {strides = array<i32>} : memref<32x768xf32, #tpu.memory_space<vmem>>, vector<1x16xf32>,
        %get3A_742 = arith.index_cast %scan3A_21 : i32 to index
        %get3A_743 = arith.constant 608 : index
        %get3A_744 = tpu.vector_load %arg8[%get3A_742, %get3A_743] {strides = array<i32>} : memref<32x768xf32, #tpu.memory_space<vmem>>, vector<1x16xf32>,
        %get3A_745 = vector.shape_cast %get3A_744 : vector<1x16xf32> to vector<16xf32>
        %get3A_746 = arith.index_cast %scan3A_8 : i32 to index
        %get3A_747 = arith.constant 608 : index
        %get3A_748 = tpu.vector_load %arg6[%get3A_746, %get3A_747] {strides = array<i32>} : memref<32x768xf32, #tpu.memory_space<vmem>>, vector<1x16xf32>,
        %get3A_749 = vector.shape_cast %get3A_748 : vector<1x16xf32> to vector<16xf32>
        %add3A_750 = arith.addf %get3A_745, %get3A_749 : vector<16xf32>
        %get3A_751 = arith.index_cast %scan3A_21 : i32 to index
        %get3A_752 = arith.constant 608 : index
        %get3A_753 = tpu.vector_load %arg7[%get3A_751, %get3A_752] {strides = array<i32>} : memref<32x768xf32, #tpu.memory_space<vmem>>, vector<1x16xf32>,
        %get3A_754 = vector.shape_cast %get3A_753 : vector<1x16xf32> to vector<16xf32>
        %add3A_755 = arith.addf %add3A_750, %get3A_754 : vector<16xf32>
        %swap3A_756 = arith.index_cast %scan3A_21 : i32 to index
        %swap3A_757 = arith.constant 608 : index
        %swap3A_758 = tpu.vector_load %arg8[%swap3A_756, %swap3A_757] {strides = array<i32>} : memref<32x768xf32, #tpu.memory_space<vmem>>, vector<1x16xf32>,
        %swap3A_759 = vector.shape_cast %swap3A_758 : vector<1x16xf32> to vector<16xf32>
        %swap3A_760 = vector.shape_cast %add3A_755 : vector<16xf32> to vector<1x16xf32>
        tpu.vector_store %arg8[%swap3A_756, %swap3A_757], %swap3A_760 {strides = array<i32>} : memref<32x768xf32, #tpu.memory_space<vmem>>, vector<1x16xf32>,
        %get3A_761 = arith.index_cast %scan3A_21 : i32 to index
        %get3A_762 = arith.constant 624 : index
        %get3A_763 = tpu.vector_load %arg8[%get3A_761, %get3A_762] {strides = array<i32>} : memref<32x768xf32, #tpu.memory_space<vmem>>, vector<1x16xf32>,
        %get3A_764 = vector.shape_cast %get3A_763 : vector<1x16xf32> to vector<16xf32>
        %get3A_765 = arith.index_cast %scan3A_8 : i32 to index
        %get3A_766 = arith.constant 624 : index
        %get3A_767 = tpu.vector_load %arg6[%get3A_765, %get3A_766] {strides = array<i32>} : memref<32x768xf32, #tpu.memory_space<vmem>>, vector<1x16xf32>,
        %get3A_768 = vector.shape_cast %get3A_767 : vector<1x16xf32> to vector<16xf32>
        %add3A_769 = arith.addf %get3A_764, %get3A_768 : vector<16xf32>
        %get3A_770 = arith.index_cast %scan3A_21 : i32 to index
        %get3A_771 = arith.constant 624 : index
        %get3A_772 = tpu.vector_load %arg7[%get3A_770, %get3A_771] {strides = array<i32>} : memref<32x768xf32, #tpu.memory_space<vmem>>, vector<1x16xf32>,
        %get3A_773 = vector.shape_cast %get3A_772 : vector<1x16xf32> to vector<16xf32>
        %add3A_774 = arith.addf %add3A_769, %get3A_773 : vector<16xf32>
        %swap3A_775 = arith.index_cast %scan3A_21 : i32 to index
        %swap3A_776 = arith.constant 624 : index
        %swap3A_777 = tpu.vector_load %arg8[%swap3A_775, %swap3A_776] {strides = array<i32>} : memref<32x768xf32, #tpu.memory_space<vmem>>, vector<1x16xf32>,
        %swap3A_778 = vector.shape_cast %swap3A_777 : vector<1x16xf32> to vector<16xf32>
        %swap3A_779 = vector.shape_cast %add3A_774 : vector<16xf32> to vector<1x16xf32>
        tpu.vector_store %arg8[%swap3A_775, %swap3A_776], %swap3A_779 {strides = array<i32>} : memref<32x768xf32, #tpu.memory_space<vmem>>, vector<1x16xf32>,
        %get3A_780 = arith.index_cast %scan3A_21 : i32 to index
        %get3A_781 = arith.constant 640 : index
        %get3A_782 = tpu.vector_load %arg8[%get3A_780, %get3A_781] {strides = array<i32>} : memref<32x768xf32, #tpu.memory_space<vmem>>, vector<1x16xf32>,
        %get3A_783 = vector.shape_cast %get3A_782 : vector<1x16xf32> to vector<16xf32>
        %get3A_784 = arith.index_cast %scan3A_8 : i32 to index
        %get3A_785 = arith.constant 640 : index
        %get3A_786 = tpu.vector_load %arg6[%get3A_784, %get3A_785] {strides = array<i32>} : memref<32x768xf32, #tpu.memory_space<vmem>>, vector<1x16xf32>,
        %get3A_787 = vector.shape_cast %get3A_786 : vector<1x16xf32> to vector<16xf32>
        %add3A_788 = arith.addf %get3A_783, %get3A_787 : vector<16xf32>
        %get3A_789 = arith.index_cast %scan3A_21 : i32 to index
        %get3A_790 = arith.constant 640 : index
        %get3A_791 = tpu.vector_load %arg7[%get3A_789, %get3A_790] {strides = array<i32>} : memref<32x768xf32, #tpu.memory_space<vmem>>, vector<1x16xf32>,
        %get3A_792 = vector.shape_cast %get3A_791 : vector<1x16xf32> to vector<16xf32>
        %add3A_793 = arith.addf %add3A_788, %get3A_792 : vector<16xf32>
        %swap3A_794 = arith.index_cast %scan3A_21 : i32 to index
        %swap3A_795 = arith.constant 640 : index
        %swap3A_796 = tpu.vector_load %arg8[%swap3A_794, %swap3A_795] {strides = array<i32>} : memref<32x768xf32, #tpu.memory_space<vmem>>, vector<1x16xf32>,
        %swap3A_797 = vector.shape_cast %swap3A_796 : vector<1x16xf32> to vector<16xf32>
        %swap3A_798 = vector.shape_cast %add3A_793 : vector<16xf32> to vector<1x16xf32>
        tpu.vector_store %arg8[%swap3A_794, %swap3A_795], %swap3A_798 {strides = array<i32>} : memref<32x768xf32, #tpu.memory_space<vmem>>, vector<1x16xf32>,
        %get3A_799 = arith.index_cast %scan3A_21 : i32 to index
        %get3A_800 = arith.constant 656 : index
        %get3A_801 = tpu.vector_load %arg8[%get3A_799, %get3A_800] {strides = array<i32>} : memref<32x768xf32, #tpu.memory_space<vmem>>, vector<1x16xf32>,
        %get3A_802 = vector.shape_cast %get3A_801 : vector<1x16xf32> to vector<16xf32>
        %get3A_803 = arith.index_cast %scan3A_8 : i32 to index
        %get3A_804 = arith.constant 656 : index
        %get3A_805 = tpu.vector_load %arg6[%get3A_803, %get3A_804] {strides = array<i32>} : memref<32x768xf32, #tpu.memory_space<vmem>>, vector<1x16xf32>,
        %get3A_806 = vector.shape_cast %get3A_805 : vector<1x16xf32> to vector<16xf32>
        %add3A_807 = arith.addf %get3A_802, %get3A_806 : vector<16xf32>
        %get3A_808 = arith.index_cast %scan3A_21 : i32 to index
        %get3A_809 = arith.constant 656 : index
        %get3A_810 = tpu.vector_load %arg7[%get3A_808, %get3A_809] {strides = array<i32>} : memref<32x768xf32, #tpu.memory_space<vmem>>, vector<1x16xf32>,
        %get3A_811 = vector.shape_cast %get3A_810 : vector<1x16xf32> to vector<16xf32>
        %add3A_812 = arith.addf %add3A_807, %get3A_811 : vector<16xf32>
        %swap3A_813 = arith.index_cast %scan3A_21 : i32 to index
        %swap3A_814 = arith.constant 656 : index
        %swap3A_815 = tpu.vector_load %arg8[%swap3A_813, %swap3A_814] {strides = array<i32>} : memref<32x768xf32, #tpu.memory_space<vmem>>, vector<1x16xf32>,
        %swap3A_816 = vector.shape_cast %swap3A_815 : vector<1x16xf32> to vector<16xf32>
        %swap3A_817 = vector.shape_cast %add3A_812 : vector<16xf32> to vector<1x16xf32>
        tpu.vector_store %arg8[%swap3A_813, %swap3A_814], %swap3A_817 {strides = array<i32>} : memref<32x768xf32, #tpu.memory_space<vmem>>, vector<1x16xf32>,
        %get3A_818 = arith.index_cast %scan3A_21 : i32 to index
        %get3A_819 = arith.constant 672 : index
        %get3A_820 = tpu.vector_load %arg8[%get3A_818, %get3A_819] {strides = array<i32>} : memref<32x768xf32, #tpu.memory_space<vmem>>, vector<1x16xf32>,
        %get3A_821 = vector.shape_cast %get3A_820 : vector<1x16xf32> to vector<16xf32>
        %get3A_822 = arith.index_cast %scan3A_8 : i32 to index
        %get3A_823 = arith.constant 672 : index
        %get3A_824 = tpu.vector_load %arg6[%get3A_822, %get3A_823] {strides = array<i32>} : memref<32x768xf32, #tpu.memory_space<vmem>>, vector<1x16xf32>,
        %get3A_825 = vector.shape_cast %get3A_824 : vector<1x16xf32> to vector<16xf32>
        %add3A_826 = arith.addf %get3A_821, %get3A_825 : vector<16xf32>
        %get3A_827 = arith.index_cast %scan3A_21 : i32 to index
        %get3A_828 = arith.constant 672 : index
        %get3A_829 = tpu.vector_load %arg7[%get3A_827, %get3A_828] {strides = array<i32>} : memref<32x768xf32, #tpu.memory_space<vmem>>, vector<1x16xf32>,
        %get3A_830 = vector.shape_cast %get3A_829 : vector<1x16xf32> to vector<16xf32>
        %add3A_831 = arith.addf %add3A_826, %get3A_830 : vector<16xf32>
        %swap3A_832 = arith.index_cast %scan3A_21 : i32 to index
        %swap3A_833 = arith.constant 672 : index
        %swap3A_834 = tpu.vector_load %arg8[%swap3A_832, %swap3A_833] {strides = array<i32>} : memref<32x768xf32, #tpu.memory_space<vmem>>, vector<1x16xf32>,
        %swap3A_835 = vector.shape_cast %swap3A_834 : vector<1x16xf32> to vector<16xf32>
        %swap3A_836 = vector.shape_cast %add3A_831 : vector<16xf32> to vector<1x16xf32>
        tpu.vector_store %arg8[%swap3A_832, %swap3A_833], %swap3A_836 {strides = array<i32>} : memref<32x768xf32, #tpu.memory_space<vmem>>, vector<1x16xf32>,
        %get3A_837 = arith.index_cast %scan3A_21 : i32 to index
        %get3A_838 = arith.constant 688 : index
        %get3A_839 = tpu.vector_load %arg8[%get3A_837, %get3A_838] {strides = array<i32>} : memref<32x768xf32, #tpu.memory_space<vmem>>, vector<1x16xf32>,
        %get3A_840 = vector.shape_cast %get3A_839 : vector<1x16xf32> to vector<16xf32>
        %get3A_841 = arith.index_cast %scan3A_8 : i32 to index
        %get3A_842 = arith.constant 688 : index
        %get3A_843 = tpu.vector_load %arg6[%get3A_841, %get3A_842] {strides = array<i32>} : memref<32x768xf32, #tpu.memory_space<vmem>>, vector<1x16xf32>,
        %get3A_844 = vector.shape_cast %get3A_843 : vector<1x16xf32> to vector<16xf32>
        %add3A_845 = arith.addf %get3A_840, %get3A_844 : vector<16xf32>
        %get3A_846 = arith.index_cast %scan3A_21 : i32 to index
        %get3A_847 = arith.constant 688 : index
        %get3A_848 = tpu.vector_load %arg7[%get3A_846, %get3A_847] {strides = array<i32>} : memref<32x768xf32, #tpu.memory_space<vmem>>, vector<1x16xf32>,
        %get3A_849 = vector.shape_cast %get3A_848 : vector<1x16xf32> to vector<16xf32>
        %add3A_850 = arith.addf %add3A_845, %get3A_849 : vector<16xf32>
        %swap3A_851 = arith.index_cast %scan3A_21 : i32 to index
        %swap3A_852 = arith.constant 688 : index
        %swap3A_853 = tpu.vector_load %arg8[%swap3A_851, %swap3A_852] {strides = array<i32>} : memref<32x768xf32, #tpu.memory_space<vmem>>, vector<1x16xf32>,
        %swap3A_854 = vector.shape_cast %swap3A_853 : vector<1x16xf32> to vector<16xf32>
        %swap3A_855 = vector.shape_cast %add3A_850 : vector<16xf32> to vector<1x16xf32>
        tpu.vector_store %arg8[%swap3A_851, %swap3A_852], %swap3A_855 {strides = array<i32>} : memref<32x768xf32, #tpu.memory_space<vmem>>, vector<1x16xf32>,
        %get3A_856 = arith.index_cast %scan3A_21 : i32 to index
        %get3A_857 = arith.constant 704 : index
        %get3A_858 = tpu.vector_load %arg8[%get3A_856, %get3A_857] {strides = array<i32>} : memref<32x768xf32, #tpu.memory_space<vmem>>, vector<1x16xf32>,
        %get3A_859 = vector.shape_cast %get3A_858 : vector<1x16xf32> to vector<16xf32>
        %get3A_860 = arith.index_cast %scan3A_8 : i32 to index
        %get3A_861 = arith.constant 704 : index
        %get3A_862 = tpu.vector_load %arg6[%get3A_860, %get3A_861] {strides = array<i32>} : memref<32x768xf32, #tpu.memory_space<vmem>>, vector<1x16xf32>,
        %get3A_863 = vector.shape_cast %get3A_862 : vector<1x16xf32> to vector<16xf32>
        %add3A_864 = arith.addf %get3A_859, %get3A_863 : vector<16xf32>
        %get3A_865 = arith.index_cast %scan3A_21 : i32 to index
        %get3A_866 = arith.constant 704 : index
        %get3A_867 = tpu.vector_load %arg7[%get3A_865, %get3A_866] {strides = array<i32>} : memref<32x768xf32, #tpu.memory_space<vmem>>, vector<1x16xf32>,
        %get3A_868 = vector.shape_cast %get3A_867 : vector<1x16xf32> to vector<16xf32>
        %add3A_869 = arith.addf %add3A_864, %get3A_868 : vector<16xf32>
        %swap3A_870 = arith.index_cast %scan3A_21 : i32 to index
        %swap3A_871 = arith.constant 704 : index
        %swap3A_872 = tpu.vector_load %arg8[%swap3A_870, %swap3A_871] {strides = array<i32>} : memref<32x768xf32, #tpu.memory_space<vmem>>, vector<1x16xf32>,
        %swap3A_873 = vector.shape_cast %swap3A_872 : vector<1x16xf32> to vector<16xf32>
        %swap3A_874 = vector.shape_cast %add3A_869 : vector<16xf32> to vector<1x16xf32>
        tpu.vector_store %arg8[%swap3A_870, %swap3A_871], %swap3A_874 {strides = array<i32>} : memref<32x768xf32, #tpu.memory_space<vmem>>, vector<1x16xf32>,
        %get3A_875 = arith.index_cast %scan3A_21 : i32 to index
        %get3A_876 = arith.constant 720 : index
        %get3A_877 = tpu.vector_load %arg8[%get3A_875, %get3A_876] {strides = array<i32>} : memref<32x768xf32, #tpu.memory_space<vmem>>, vector<1x16xf32>,
        %get3A_878 = vector.shape_cast %get3A_877 : vector<1x16xf32> to vector<16xf32>
        %get3A_879 = arith.index_cast %scan3A_8 : i32 to index
        %get3A_880 = arith.constant 720 : index
        %get3A_881 = tpu.vector_load %arg6[%get3A_879, %get3A_880] {strides = array<i32>} : memref<32x768xf32, #tpu.memory_space<vmem>>, vector<1x16xf32>,
        %get3A_882 = vector.shape_cast %get3A_881 : vector<1x16xf32> to vector<16xf32>
        %add3A_883 = arith.addf %get3A_878, %get3A_882 : vector<16xf32>
        %get3A_884 = arith.index_cast %scan3A_21 : i32 to index
        %get3A_885 = arith.constant 720 : index
        %get3A_886 = tpu.vector_load %arg7[%get3A_884, %get3A_885] {strides = array<i32>} : memref<32x768xf32, #tpu.memory_space<vmem>>, vector<1x16xf32>,
        %get3A_887 = vector.shape_cast %get3A_886 : vector<1x16xf32> to vector<16xf32>
        %add3A_888 = arith.addf %add3A_883, %get3A_887 : vector<16xf32>
        %swap3A_889 = arith.index_cast %scan3A_21 : i32 to index
        %swap3A_890 = arith.constant 720 : index
        %swap3A_891 = tpu.vector_load %arg8[%swap3A_889, %swap3A_890] {strides = array<i32>} : memref<32x768xf32, #tpu.memory_space<vmem>>, vector<1x16xf32>,
        %swap3A_892 = vector.shape_cast %swap3A_891 : vector<1x16xf32> to vector<16xf32>
        %swap3A_893 = vector.shape_cast %add3A_888 : vector<16xf32> to vector<1x16xf32>
        tpu.vector_store %arg8[%swap3A_889, %swap3A_890], %swap3A_893 {strides = array<i32>} : memref<32x768xf32, #tpu.memory_space<vmem>>, vector<1x16xf32>,
        %get3A_894 = arith.index_cast %scan3A_21 : i32 to index
        %get3A_895 = arith.constant 736 : index
        %get3A_896 = tpu.vector_load %arg8[%get3A_894, %get3A_895] {strides = array<i32>} : memref<32x768xf32, #tpu.memory_space<vmem>>, vector<1x16xf32>,
        %get3A_897 = vector.shape_cast %get3A_896 : vector<1x16xf32> to vector<16xf32>
        %get3A_898 = arith.index_cast %scan3A_8 : i32 to index
        %get3A_899 = arith.constant 736 : index
        %get3A_900 = tpu.vector_load %arg6[%get3A_898, %get3A_899] {strides = array<i32>} : memref<32x768xf32, #tpu.memory_space<vmem>>, vector<1x16xf32>,
        %get3A_901 = vector.shape_cast %get3A_900 : vector<1x16xf32> to vector<16xf32>
        %add3A_902 = arith.addf %get3A_897, %get3A_901 : vector<16xf32>
        %get3A_903 = arith.index_cast %scan3A_21 : i32 to index
        %get3A_904 = arith.constant 736 : index
        %get3A_905 = tpu.vector_load %arg7[%get3A_903, %get3A_904] {strides = array<i32>} : memref<32x768xf32, #tpu.memory_space<vmem>>, vector<1x16xf32>,
        %get3A_906 = vector.shape_cast %get3A_905 : vector<1x16xf32> to vector<16xf32>
        %add3A_907 = arith.addf %add3A_902, %get3A_906 : vector<16xf32>
        %swap3A_908 = arith.index_cast %scan3A_21 : i32 to index
        %swap3A_909 = arith.constant 736 : index
        %swap3A_910 = tpu.vector_load %arg8[%swap3A_908, %swap3A_909] {strides = array<i32>} : memref<32x768xf32, #tpu.memory_space<vmem>>, vector<1x16xf32>,
        %swap3A_911 = vector.shape_cast %swap3A_910 : vector<1x16xf32> to vector<16xf32>
        %swap3A_912 = vector.shape_cast %add3A_907 : vector<16xf32> to vector<1x16xf32>
        tpu.vector_store %arg8[%swap3A_908, %swap3A_909], %swap3A_912 {strides = array<i32>} : memref<32x768xf32, #tpu.memory_space<vmem>>, vector<1x16xf32>,
        %get3A_913 = arith.index_cast %scan3A_21 : i32 to index
        %get3A_914 = arith.constant 752 : index
        %get3A_915 = tpu.vector_load %arg8[%get3A_913, %get3A_914] {strides = array<i32>} : memref<32x768xf32, #tpu.memory_space<vmem>>, vector<1x16xf32>,
        %get3A_916 = vector.shape_cast %get3A_915 : vector<1x16xf32> to vector<16xf32>
        %get3A_917 = arith.index_cast %scan3A_8 : i32 to index
        %get3A_918 = arith.constant 752 : index
        %get3A_919 = tpu.vector_load %arg6[%get3A_917, %get3A_918] {strides = array<i32>} : memref<32x768xf32, #tpu.memory_space<vmem>>, vector<1x16xf32>,
        %get3A_920 = vector.shape_cast %get3A_919 : vector<1x16xf32> to vector<16xf32>
        %add3A_921 = arith.addf %get3A_916, %get3A_920 : vector<16xf32>
        %get3A_922 = arith.index_cast %scan3A_21 : i32 to index
        %get3A_923 = arith.constant 752 : index
        %get3A_924 = tpu.vector_load %arg7[%get3A_922, %get3A_923] {strides = array<i32>} : memref<32x768xf32, #tpu.memory_space<vmem>>, vector<1x16xf32>,
        %get3A_925 = vector.shape_cast %get3A_924 : vector<1x16xf32> to vector<16xf32>
        %add3A_926 = arith.addf %add3A_921, %get3A_925 : vector<16xf32>
        %swap3A_927 = arith.index_cast %scan3A_21 : i32 to index
        %swap3A_928 = arith.constant 752 : index
        %swap3A_929 = tpu.vector_load %arg8[%swap3A_927, %swap3A_928] {strides = array<i32>} : memref<32x768xf32, #tpu.memory_space<vmem>>, vector<1x16xf32>,
        %swap3A_930 = vector.shape_cast %swap3A_929 : vector<1x16xf32> to vector<16xf32>
        %swap3A_931 = vector.shape_cast %add3A_926 : vector<16xf32> to vector<1x16xf32>
        tpu.vector_store %arg8[%swap3A_927, %swap3A_928], %swap3A_931 {strides = array<i32>} : memref<32x768xf32, #tpu.memory_space<vmem>>, vector<1x16xf32>,
      }
      %scan3A_17 = arith.constant 32 : i32
      %mul3A_18 = arith.constant 32 : i32
      %mul3A_19 = arith.muli %scan3A_8, %mul3A_18 : i32
      %add3A_20 = arith.addi %mul3A_2, %mul3A_19 : i32
      "tpu.region"() ({
        %run_scoped3A = tpu.sem_alloc : memref<!tpu.dma_semaphore, #tpu.memory_space<semaphore_mem>>
        %dma_start3A = arith.constant 0 : i32
        %dma_start3A_21 = tpu.memref_slice %arg5[%add3A_20, %dma_start3A] : memref<32768x768xf32, #tpu.memory_space<hbm>> -> memref<32x768xf32, #tpu.memory_space<hbm>>
        %dma_start3A_22 = arith.constant 0 : i32
        %dma_start3A_23 = tpu.memref_slice %arg5[%add3A_20, %dma_start3A_22] : memref<32768x768xf32, #tpu.memory_space<hbm>> -> memref<32x768xf32, #tpu.memory_space<hbm>>
        tpu.enqueue_dma source(%arg8 : memref<32x768xf32, #tpu.memory_space<vmem>>) target(%dma_start3A_23 : memref<32x768xf32, #tpu.memory_space<hbm>>) target_semaphore(%run_scoped3A : memref<!tpu.dma_semaphore, #tpu.memory_space<semaphore_mem>>)
        %dma_wait3A = arith.constant 0 : i32
        %dma_wait3A_24 = tpu.memref_slice %arg5[%add3A_20, %dma_wait3A] : memref<32768x768xf32, #tpu.memory_space<hbm>> -> memref<32x768xf32, #tpu.memory_space<hbm>>
        %dma_wait3A_25 = arith.constant 0 : i32
        %dma_wait3A_26 = tpu.memref_slice %arg5[%add3A_20, %dma_wait3A_25] : memref<32768x768xf32, #tpu.memory_space<hbm>> -> memref<32x768xf32, #tpu.memory_space<hbm>>
        tpu.wait_dma2 semaphore(%run_scoped3A : memref<!tpu.dma_semaphore, #tpu.memory_space<semaphore_mem>>) src(%arg8 : memref<32x768xf32, #tpu.memory_space<vmem>>) dst(%dma_wait3A_26 : memref<32x768xf32, #tpu.memory_space<hbm>>)
        tpu.yield
      }) : () -> ()
    }
    %scan3A_7 = arith.constant 32 : i32
    return
  }
}

</mosaic_0001>

<sc_bundles>
// kernel: kernel.3.cloned.1.call-start
scs
__scs_entry_jumppad:
0x0: {  	(pc) =	sbr.rel $0x88, $3  }
0x1: {  	(tag) =	ssettag $0x0;
	lr =	simm.s32 $0x1  }
0x2: {  	[smem:$0x3F9E] =	sst lr;
	_ =	strace $0xD0000000  }
0x3: {  	_ = 	snop  }
0x4: {  	_ = 	snop  }
0x5: {  	_ = 	snop  }
0x6: {  	_ = 	snop  }
0x7: {  	_ = 	snop  }
__scs_overlays_trampoline_lowered:
0x8: {  	[smem:$0x3FAD] =	sst s0  }
0x9: {  	[smem:$0x3FAE] =	sst s1  }
0xa: {  	[smem:$0x3FAF] =	sst s2  }
0xb: {  	[smem:$0x3FB0] =	sst s3  }
0xc: {  	[smem:$0x3FB1] =	sst s4  }
0xd: {  	[smem:$0x3FB2] =	sst s5  }
0xe: {  	[smem:$0x3FB3] =	sst s6  }
0xf: {  	[smem:$0x3FB4] =	sst s7  }
0x10: {  	[smem:$0x3FB5] =	sst s8  }
0x11: {  	[smem:$0x3FB6] =	sst s9;
	s0 =	simm.s32 @!p0 $0x0  }
0x12: {  	s1 =	sld [smem:$0x3F9C];
	s0 =	simm.s32 @p0 $0x1  }
0x13: {  	[smem:$0x3FB7] =	sst s0;
	s0 =	simm.s32 @!p1 $0x0  }
0x14: {  	s2 =	sld [smem:$0x3F9B];
	s0 =	simm.s32 @p1 $0x1  }
0x15: {  	[smem:$0x3FB8] =	sst s0;
	s0 =	simm.s32 @!p2 $0x0  }
0x16: {  	s3 =	sld [smem:$0x3FDB];
	s0 =	simm.s32 @p2 $0x1  }
0x17: {  	s4 =	simm.s32 $0x1BF5;
	[smem:$0x3FBA] =	sst s0  }
0x18: {  	s0 =	sld [smem:$0x3F9D];
	_ =	swait.ge [sflag:s4], $0x0  }
0x19: {  	s7 =	sld [smem:$0x3F9E]  }
0x1a: {  	s8 =	sadd.s32 $0xFFFFE003, lr  }
0x1b: {  	s9 =	sadd.s32 $0xFFFFFEF7, lr;
	s5 =	simm.s32 $0xFFFFFFFF;
	p2 =	slt.u32 s8, $0xFFFFF086  }
0x1c: {  	p1 =	slt.u32 s9, $0xF7A;
	s5 =	simm.s32 @!p2 $0x0  }
0x1d: {  	s5 =	simm.s32 @p1 $0x1;
	p0 =	seq.s32 s7, s2  }
0x1e: {  	s7 =	smul.u32 @!p0 $0xF7A, s2;
	p2 =	seq.s32 @!p0 s5, $0x0  }
0x1f: {  	s9 =	smul.u32 $0xF7A, s1;
	s8 =	simm.s32 @!p0 $0x1BF5;
	p2 =	por !p2, p0  }
0x20: {  	[sflag:s8] =	ssyncset.s32 @!p0 $0xFFFFF086;
	s6 =	sadd.s32 @!p0 s3, s7;
	s7 =	simm.s32 @!p0 $0x108  }
0x21: {  	s3 =	sadd.s32 s3, s9;
	s6 =	sadd.s32 @!p0 $0x88, s6;
	s7 =	simm.s32 @p2 $0x1082  }
0x22: {  	[simem:s7], [sflag:s8] =	dma.local @!p0 [hbm:s6], $0xF7A  }
0x23: {  	s9 =	sor.u32 $0xD0000000, s2;
	s6 =	simm.s32 $0x108;
	_ =	swait.ge @!p0 [sflag:s8], $0x0  }
0x24: {  	s3 =	sadd.s32 $0x88, s3;
	s6 =	simm.s32 @!p1 $0x1082;
	[sflag:s4] =	ssyncset.s32 $0xFFFFF086  }
0x25: {  	[simem:s6], [sflag:s4] =	dma.local [hbm:s3], $0xF7A  }
0x26: {  	[smem:$0x3F9E] =	sst s1;
	(tag) =	ssettag s2;
	_ =	strace s9  }
0x27: {  	s1 =	sld [smem:$0x3FAE]  }
0x28: {  	s2 =	sld [smem:$0x3FAF]  }
0x29: {  	s4 =	sld [smem:$0x3FB1]  }
0x2a: {  	p0 =	seq.s32 s5, $0x0;
	s5 =	sld [smem:$0x3FB2]  }
0x2b: {  	s6 =	sld [smem:$0x3FB3]  }
0x2c: {  	s7 =	sld [smem:$0x3FB4]  }
0x2d: {  	s3 =	simm.s32 $0x108;
	s8 =	sld [smem:$0x3FB5]  }
0x2e: {  	s3 =	simm.s32 @!p0 $0x1082;
	s9 =	sld [smem:$0x3FB6]  }
0x2f: {  	lr =	sadd.s32 s0, s3;
	s0 =	sld [smem:$0x3FAD]  }
0x30: {  	s3 =	sld [smem:$0x3FB0]  }
0x31: {  	[smem:$0x3FB9] =	sst s10  }
0x32: {  	s10 =	sld [smem:$0x3FB7];
	_ =	sdelay $0x3  }
0x33: {  	p0 =	seq.s32 s10, $0x1;
	s10 =	sld [smem:$0x3FB9];
	_ =	sdelay $0x3  }
0x34: {  	[smem:$0x3FB9] =	sst s10  }
0x35: {  	s10 =	sld [smem:$0x3FB8];
	_ =	sdelay $0x3  }
0x36: {  	p1 =	seq.s32 s10, $0x1;
	s10 =	sld [smem:$0x3FB9];
	_ =	sdelay $0x3  }
0x37: {  	[smem:$0x3FB9] =	sst s10  }
0x38: {  	s10 =	sld [smem:$0x3FBA]  }
0x39: {  	_ = 	snop;
	(pc) =	sbr.ind lr, $3  }
0x3a: {  	_ = 	snop  }
0x3b: {  	_ = 	snop  }
0x3c: {  	p2 =	seq.s32 s10, $0x1;
	s10 =	sld [smem:$0x3FB9]  }
0x3d: {  	_ =	shalt  }
0x3e: {  	_ =	shalt  }
0x3f: {  	_ =	shalt  }
0x40: {  	_ =	shalt  }
0x41: {  	_ =	shalt  }
0x42: {  	_ =	shalt  }
0x43: {  	_ =	shalt  }
0x44: {  	_ =	shalt  }
0x45: {  	_ =	shalt  }
0x46: {  	_ =	shalt  }
0x47: {  	_ =	shalt  }
0x48: {  	_ =	shalt  }
0x49: {  	_ =	shalt  }
0x4a: {  	_ =	shalt  }
0x4b: {  	_ =	shalt  }
0x4c: {  	_ =	shalt  }
0x4d: {  	_ =	shalt  }
0x4e: {  	_ =	shalt  }
0x4f: {  	_ =	shalt  }
0x50: {  	_ =	shalt  }
0x51: {  	_ =	shalt  }
0x52: {  	_ =	shalt  }
0x53: {  	_ =	shalt  }
0x54: {  	_ =	shalt  }
0x55: {  	_ =	shalt  }
0x56: {  	_ =	shalt  }
0x57: {  	_ =	shalt  }
0x58: {  	_ =	shalt  }
0x59: {  	_ =	shalt  }
0x5a: {  	_ =	shalt  }
0x5b: {  	_ =	shalt  }
0x5c: {  	_ =	shalt  }
0x5d: {  	_ =	shalt  }
0x5e: {  	_ =	shalt  }
0x5f: {  	_ =	shalt  }
0x60: {  	_ =	shalt  }
0x61: {  	_ =	shalt  }
0x62: {  	_ =	shalt  }
0x63: {  	_ =	shalt  }
0x64: {  	_ =	shalt  }
0x65: {  	_ =	shalt  }
0x66: {  	_ =	shalt  }
0x67: {  	_ =	shalt  }
0x68: {  	_ =	shalt  }
0x69: {  	_ =	shalt  }
0x6a: {  	_ =	shalt  }
0x6b: {  	_ =	shalt  }
0x6c: {  	_ =	shalt  }
0x6d: {  	_ =	shalt  }
0x6e: {  	_ =	shalt  }
0x6f: {  	_ =	shalt  }
0x70: {  	_ =	shalt  }
0x71: {  	_ =	shalt  }
0x72: {  	_ =	shalt  }
0x73: {  	_ =	shalt  }
0x74: {  	_ =	shalt  }
0x75: {  	_ =	shalt  }
0x76: {  	_ =	shalt  }
0x77: {  	_ =	shalt  }
0x78: {  	_ =	shalt  }
0x79: {  	_ =	shalt  }
0x7a: {  	_ =	shalt  }
0x7b: {  	_ =	shalt  }
0x7c: {  	_ =	shalt  }
0x7d: {  	_ =	shalt  }
0x7e: {  	_ =	shalt  }
0x7f: {  	_ =	shalt  }
0x80: {  	_ =	shalt  }
0x81: {  	_ =	shalt  }
0x82: {  	_ =	shalt  }
0x83: {  	_ =	shalt  }
0x84: {  	_ =	shalt  }
0x85: {  	_ =	shalt  }
0x86: {  	_ =	shalt  }
0x87: {  	_ =	shalt  }
.Lfunc_end0:
.L_simem_size_0:
called_computation_lowered:
.L_overlay_start_0:
0x88: {  	s2 =	sld [smem:$0x3FD9]  }
0x89: {  	s3 =	sld [smem:$0x3FFE];
	_ =	sdelay $0x1  }
0x8a: {  	s1 =	srdreg.scid  }
0x8b: {  	s0 =	sand.u32 $0x1, s1  }
0x8c: {  	s18 =	sshll.u32 s0, $0xA;
	s2 =	sadd.s32 s3, s2  }
0x8d: {  	s2 =	sadd.s32 s2, s18  }
0x8e: {  	[smem:$0x3FC5] =	sst s2  }
0x8f: {  	_ = 	snop  }
0x90: {  	s2 =	sld [smem:$0x3FC9]  }
0x91: {  	s19 =	sld [smem:$0x3FC8]  }
0x92: {  	s4 =	sld [smem:$0x3FC7]  }
0x93: {  	s5 =	sld [smem:$0x3FD0];
	(tm) =	ssettm $0x1  }
0x94: {  	s6 =	sld [smem:$0x3FFB];
	_ =	sdelay $0x3  }
0x95: {  	_ =	strace s6  }
0x96: {  	s6 =	sld [smem:$0x3FFC];
	_ =	sdelay $0x3  }
0x97: {  	_ =	strace s6  }
0x98: {  	s6 =	sld [smem:$0x3FFD];
	_ =	sdelay $0x3  }
0x99: {  	_ =	strace s6  }
0x9a: {  	_ =	strace $0x8FFFFFFF  }
0x9b: {  	s20 =	sld [smem:$0x3FDB];
	_ =	sdelay $0x1  }
0x9c: {  	s7 =	simm.s32 $_scs_section_size  }
0x9d: {  	s8 =	simm.s32 $_size__tile_overlayer_lowered;
	s9 =	simm.s32 $_tile_overlayer_lowered  }
0x9e: {  	s23 =	simm.s32 $0x1BFF;
	s22 =	sshll.u32 s9, $0x1;
	s6 =	sadd.s32 s7, s20  }
0x9f: {  	s10 =	simm.s32 $0x0;
	s21 =	sshll.u32 s8, $0x1;
	s8 =	sadd.s32 s22, s6  }
0xa0: {  	[timem:s10], [sflag:s23] =	dma.local [hbm:s8], s21  }
0xa1: {  	_ =	swait.ge [sflag:s23], s21  }
0xa2: {  	s7 =	ssub.s32 $0x0, s21;
	[sflag:s23] =	ssyncset.done $0x0  }
0xa3: {  	[sflag:s23] =	ssyncadd.s32 s7;
	_ =	sdelay $0x1  }
0xa4: {  	s24 =	simm.s32 $0x1B8B  }
0xa5: {  	_ =	swait.ge [sflag:s24], $0x1  }
0xa6: {  	[sflag:s24] =	ssyncset.done $0x0  }
0xa7: {  	s25 =	simm.s32 $0x1B8E;
	[sflag:s24] =	ssyncadd.s32 $0xFFFFFFFF  }
0xa8: {  	s26 =	simm.s32 $execute0_lowered;
	[smem:$0x3FD2] =	sst s25  }
0xa9: {  	s7 =	sshll.u32 s26, $0x1;
	_ =	strace $0x80000046;
	[dreg:$0x1] =	wrdreg $0xFFFFFFFF  }
0xaa: {  	s28 =	simm.s32 $_size_execute0_lowered;
	s6 =	sadd.s32 s6, s7;
	[dreg:$0x0] =	wrdreg $0x0  }
0xab: {  	s7 =	sshll.u32 s28, $0x1;
	[dreg:$0x2] =	wrdreg s6  }
0xac: {  	[dreg:$0x3] =	wrdreg s7  }
0xad: {  	[dreg:$0x4] =	wrdreg $0xC0  }
0xae: {  	_ =	task [dreg:s10], $0x5FFFF  }
0xaf: {  	[dreg:$0x1] =	wrdreg $0xFFFFFFFF  }
0xb0: {  	[dreg:$0x0] =	wrdreg $0x60  }
0xb1: {  	[dreg:$0x2] =	wrdreg s2  }
0xb2: {  	[dreg:$0x3] =	wrdreg s19  }
0xb3: {  	[dreg:$0x4] =	wrdreg s4  }
0xb4: {  	[dreg:$0x5] =	wrdreg s5  }
0xb5: {  	[dreg:$0x6] =	wrdreg $0x9  }
0xb6: {  	_ =	task.clear_ibuf [dreg:s10], $0x7FFFF;
	_ =	strace $0x90000046  }
0xb7: {  	s29 =	simm.s32 $0x9;
	_ =	strace $0x80000048  }
0xb8: {  	_ =	swait.ge [sflag:s29], $0x1  }
0xb9: {  	[sflag:s29] =	ssyncadd.s32 $0xFFFFFFFF  }
0xba: {  	_ =	strace $0x90000048  }
0xbb: {  	_ =	sfence  }
0xbc: {  	s30 =	sld [smem:$0x0];
	_ =	sdelay $0x2  }
0xbd: {  	s31 =	sshll.u32 s1, $0xD;
	s1 =	sshrl.u32 s1, $0x2  }
0xbe: {  	s3 =	sand.u32 $0x4000, s31;
	s1 =	sadd.s32 s1, s30  }
0xbf: {  	s0 =	sor.u32 s3, s0;
	s1 =	sshll.u32 s1, $0x11  }
0xc0: {  	s0 =	sor.u32 s1, s0  }
0xc1: {  	s0 =	sadd.s32 $0x8F2B, s0  }
0xc2: {  	[sflag:s0] =	ssyncadd.remote.s32 $0x1  }
0xc3: {  	_ =	sfence.sel $0xFFFF  }
0xc4: {  	[dreg:$0x0] =	wrdreg $0xFFFFFFFF;
	(pc) =	sbr.abs _section_cstart, $3  }
0xc5: {  	[dreg:$0x1] =	wrdreg $0xFFFFFFFF  }
0xc6: {  	_ =	task.clear_ibuf [dreg:s10], $0x2FFFF;
	_ =	strace $0x9FFFFFFF  }
0xc7: {  	(tm) =	ssettm $0x7FFFFFFF  }
tec
execute0_lowered:
.L_overlay_start_1:
0x0: {  	(tag) =	ssettag $0x1  }
0x1: {  	s1 =	rddreg [dreg:$0x0]  }
0x2: {  	s2 =	rddreg [dreg:$0x1]  }
0x3: {  	s3 =	rddreg [dreg:$0x2]  }
0x4: {  	s4 =	rddreg [dreg:$0x3]  }
0x5: {  	s6 =	srdreg.scid;
	s0 =	rddreg [dreg:$0x4];
	s5 =	simm.s32 $0x0  }
0x6: {  	s10 =	simm.s32 $0x6000;
	s11 =	simm.s32 $0xC000;
	s7 =	sand.u32 $0x1, s6  }
0x7: {  	s12 =	simm.s32 $0x0;
	[smem:$0x7FF] =	sst s5;
	s8 =	ssub.s32 $0x2, s7  }
0x8: {  	s6 =	stileid.u32;
	_ =	strace $0x80000047;
	s9 =	sshrl.u32 s8, $0x1  }
0x9: {  	s31 =	sshll.u32 s6, $0x8;
	s7 =	sshll.u32 s7, $0x7;
	s8 =	ssub.s32 s8, s9  }
0xa: {  	s7 =	sor.u32 s7, s31;
	s9 =	simm.s32 $0x1;
	s8 =	smax.u32 s8, $0x1  }
.LBB2_1:
0xb: {  	[tilespmem:s5], [sflag:$0x1] =	stream.linear.gather [hbm4b:s2+s5], $0x6000, $0x38;
	[tilespmem:$0x12000] =	vst v63  }
0xc: {  	_ =	swait.ge [sflag:s9], $0x6000  }
0xd: {  	[sflag:s9] =	ssyncset.done $0x0  }
0xe: {  	[sflag:s9] =	ssyncadd.s32 $0xFFFFA000  }
0xf: {  	[tilespmem:s10], [sflag:$0x1] =	stream.linear.gather [hbm4b:s3+s5], $0x6000, $0x38;
	[tilespmem:$0x12000] =	vst v63  }
0x10: {  	_ =	swait.ge [sflag:s9], $0x6000  }
0x11: {  	[sflag:s9] =	ssyncset.done $0x0  }
0x12: {  	s13 =	simm.s32 $0x0;
	[sflag:s9] =	ssyncadd.s32 $0xFFFFA000  }
.LBB2_2:
0x13: {  	s14 =	sshll.u32 s13, $0x2  }
0x14: {  	s14 =	sadd.s32 s7, s14  }
0x15: {  	s14 =	smul.u32 $0x300, s14  }
0x16: {  	s16 =	simm.s32 $0x0;
	s17 =	simm.s32 $0x0  }
0x17: {  	s31 =	sshrl.u32 s13, $0x3;
	s17 =	smul.u32 $0x1800, s17;
	s15 =	sadd.s32 s1, s14  }
0x18: {  	[tilespmem:s11], [sflag:$0x1] =	stream.linear.gather [hbm4b:s15+s16], $0x6000, $0x38;
	[tilespmem:$0x12000] =	vst v63  }
0x19: {  	s18 =	sshll.u32 s13, $0x7;
	s15 =	smul.u32 $0x6000, s31;
	_ =	swait.ge [sflag:s9], $0x6000  }
0x1a: {  	s18 =	sand.u32 $0x380, s18;
	s16 =	sand.u32 $0x380, s16;
	[sflag:s9] =	ssyncset.done $0x0  }
0x1b: {  	s20 =	sor.u32 s16, s17;
	s15 =	sshra.s32 s15, $0x2;
	[sflag:s9] =	ssyncadd.s32 $0xFFFFA000  }
0x1c: {  	s15 =	sor.u32 s18, s15;
	v0 =	vld [tilespmem:s20+$0xC000]  }
0x1d: {  	v1 =	vld [tilespmem:s15+$0x0];
	_ =	sdelay $0x1  }
0x1e: {  	v2 =	vld [tilespmem:s20+$0x6000];
	_ =	sdelay $0x2  }
0x1f: {  	v0 =	vadd.f32 v1, v0;
	_ =	sdelay $0x1  }
0x20: {  	v0 =	vadd.f32 v2, v0;
	_ =	sdelay $0x1  }
0x21: {  	[tilespmem:s20+$0xC000] =	vst v0;
	v0 =	vld [tilespmem:s20+$0xC010]  }
0x22: {  	v1 =	vld [tilespmem:s15+$0x10];
	_ =	sdelay $0x1  }
0x23: {  	v2 =	vld [tilespmem:s20+$0x6010];
	_ =	sdelay $0x2  }
0x24: {  	v0 =	vadd.f32 v1, v0;
	_ =	sdelay $0x1  }
0x25: {  	v0 =	vadd.f32 v2, v0;
	_ =	sdelay $0x1  }
0x26: {  	[tilespmem:s20+$0xC010] =	vst v0;
	v0 =	vld [tilespmem:s20+$0xC020]  }
0x27: {  	v1 =	vld [tilespmem:s15+$0x20];
	_ =	sdelay $0x1  }
0x28: {  	v2 =	vld [tilespmem:s20+$0x6020];
	_ =	sdelay $0x2  }
0x29: {  	v0 =	vadd.f32 v1, v0;
	_ =	sdelay $0x1  }
0x2a: {  	v0 =	vadd.f32 v2, v0;
	_ =	sdelay $0x1  }
0x2b: {  	[tilespmem:s20+$0xC020] =	vst v0;
	v0 =	vld [tilespmem:s20+$0xC030]  }
0x2c: {  	v1 =	vld [tilespmem:s15+$0x30];
	_ =	sdelay $0x1  }
0x2d: {  	v2 =	vld [tilespmem:s20+$0x6030];
	_ =	sdelay $0x2  }
0x2e: {  	v0 =	vadd.f32 v1, v0;
	_ =	sdelay $0x1  }
0x2f: {  	v0 =	vadd.f32 v2, v0;
	_ =	sdelay $0x1  }
0x30: {  	[tilespmem:s20+$0xC030] =	vst v0;
	v0 =	vld [tilespmem:s20+$0xC040]  }
0x31: {  	v1 =	vld [tilespmem:s15+$0x40];
	_ =	sdelay $0x1  }
0x32: {  	v2 =	vld [tilespmem:s20+$0x6040];
	_ =	sdelay $0x2  }
0x33: {  	v0 =	vadd.f32 v1, v0;
	_ =	sdelay $0x1  }
0x34: {  	v0 =	vadd.f32 v2, v0;
	_ =	sdelay $0x1  }
0x35: {  	[tilespmem:s20+$0xC040] =	vst v0;
	v0 =	vld [tilespmem:s20+$0xC050]  }
0x36: {  	v1 =	vld [tilespmem:s15+$0x50];
	_ =	sdelay $0x1  }
0x37: {  	v2 =	vld [tilespmem:s20+$0x6050];
	_ =	sdelay $0x2  }
0x38: {  	v0 =	vadd.f32 v1, v0;
	_ =	sdelay $0x1  }
0x39: {  	v0 =	vadd.f32 v2, v0;
	_ =	sdelay $0x1  }
0x3a: {  	[tilespmem:s20+$0xC050] =	vst v0;
	v0 =	vld [tilespmem:s20+$0xC060]  }
0x3b: {  	v1 =	vld [tilespmem:s15+$0x60];
	_ =	sdelay $0x1  }
0x3c: {  	v2 =	vld [tilespmem:s20+$0x6060];
	_ =	sdelay $0x2  }
0x3d: {  	v0 =	vadd.f32 v1, v0;
	_ =	sdelay $0x1  }
0x3e: {  	v0 =	vadd.f32 v2, v0;
	_ =	sdelay $0x1  }
0x3f: {  	[tilespmem:s20+$0xC060] =	vst v0;
	v0 =	vld [tilespmem:s20+$0xC070]  }
0x40: {  	v1 =	vld [tilespmem:s15+$0x70];
	_ =	sdelay $0x1  }
0x41: {  	v2 =	vld [tilespmem:s20+$0x6070];
	_ =	sdelay $0x2  }
0x42: {  	v0 =	vadd.f32 v1, v0;
	_ =	sdelay $0x1  }
0x43: {  	v0 =	vadd.f32 v2, v0;
	_ =	sdelay $0x1  }
0x44: {  	[tilespmem:s20+$0xC070] =	vst v0;
	v0 =	vld [tilespmem:s20+$0xC400]  }
0x45: {  	v1 =	vld [tilespmem:s15+$0x400];
	_ =	sdelay $0x1  }
0x46: {  	v2 =	vld [tilespmem:s20+$0x6400];
	_ =	sdelay $0x2  }
0x47: {  	v0 =	vadd.f32 v1, v0;
	_ =	sdelay $0x1  }
0x48: {  	v0 =	vadd.f32 v2, v0;
	_ =	sdelay $0x1  }
0x49: {  	[tilespmem:s20+$0xC400] =	vst v0;
	v0 =	vld [tilespmem:s20+$0xC410]  }
0x4a: {  	v1 =	vld [tilespmem:s15+$0x410];
	_ =	sdelay $0x1  }
0x4b: {  	v2 =	vld [tilespmem:s20+$0x6410];
	_ =	sdelay $0x2  }
0x4c: {  	v0 =	vadd.f32 v1, v0;
	_ =	sdelay $0x1  }
0x4d: {  	v0 =	vadd.f32 v2, v0;
	_ =	sdelay $0x1  }
0x4e: {  	[tilespmem:s20+$0xC410] =	vst v0;
	v0 =	vld [tilespmem:s20+$0xC420]  }
0x4f: {  	v1 =	vld [tilespmem:s15+$0x420];
	_ =	sdelay $0x1  }
0x50: {  	v2 =	vld [tilespmem:s20+$0x6420];
	_ =	sdelay $0x2  }
0x51: {  	v0 =	vadd.f32 v1, v0;
	_ =	sdelay $0x1  }
0x52: {  	v0 =	vadd.f32 v2, v0;
	_ =	sdelay $0x1  }
0x53: {  	[tilespmem:s20+$0xC420] =	vst v0;
	v0 =	vld [tilespmem:s20+$0xC430]  }
0x54: {  	v1 =	vld [tilespmem:s15+$0x430];
	_ =	sdelay $0x1  }
0x55: {  	v2 =	vld [tilespmem:s20+$0x6430];
	_ =	sdelay $0x2  }
0x56: {  	v0 =	vadd.f32 v1, v0;
	_ =	sdelay $0x1  }
0x57: {  	v0 =	vadd.f32 v2, v0;
	_ =	sdelay $0x1  }
0x58: {  	[tilespmem:s20+$0xC430] =	vst v0;
	v0 =	vld [tilespmem:s20+$0xC440]  }
0x59: {  	v1 =	vld [tilespmem:s15+$0x440];
	_ =	sdelay $0x1  }
0x5a: {  	v2 =	vld [tilespmem:s20+$0x6440];
	_ =	sdelay $0x2  }
0x5b: {  	v0 =	vadd.f32 v1, v0;
	_ =	sdelay $0x1  }
0x5c: {  	v0 =	vadd.f32 v2, v0;
	_ =	sdelay $0x1  }
0x5d: {  	[tilespmem:s20+$0xC440] =	vst v0;
	v0 =	vld [tilespmem:s20+$0xC450]  }
0x5e: {  	v1 =	vld [tilespmem:s15+$0x450];
	_ =	sdelay $0x1  }
0x5f: {  	v2 =	vld [tilespmem:s20+$0x6450];
	_ =	sdelay $0x2  }
0x60: {  	v0 =	vadd.f32 v1, v0;
	_ =	sdelay $0x1  }
0x61: {  	v0 =	vadd.f32 v2, v0;
	_ =	sdelay $0x1  }
0x62: {  	[tilespmem:s20+$0xC450] =	vst v0;
	v0 =	vld [tilespmem:s20+$0xC460]  }
0x63: {  	v1 =	vld [tilespmem:s15+$0x460];
	_ =	sdelay $0x1  }
0x64: {  	v2 =	vld [tilespmem:s20+$0x6460];
	_ =	sdelay $0x2  }
0x65: {  	v0 =	vadd.f32 v1, v0;
	_ =	sdelay $0x1  }
0x66: {  	v0 =	vadd.f32 v2, v0;
	_ =	sdelay $0x1  }
0x67: {  	[tilespmem:s20+$0xC460] =	vst v0;
	v0 =	vld [tilespmem:s20+$0xC470]  }
0x68: {  	v1 =	vld [tilespmem:s15+$0x470];
	_ =	sdelay $0x1  }
0x69: {  	v2 =	vld [tilespmem:s20+$0x6470];
	_ =	sdelay $0x2  }
0x6a: {  	v0 =	vadd.f32 v1, v0;
	_ =	sdelay $0x1  }
0x6b: {  	v0 =	vadd.f32 v2, v0;
	_ =	sdelay $0x1  }
0x6c: {  	[tilespmem:s20+$0xC470] =	vst v0;
	v0 =	vld [tilespmem:s20+$0xC800]  }
0x6d: {  	v1 =	vld [tilespmem:s15+$0x800];
	_ =	sdelay $0x1  }
0x6e: {  	v2 =	vld [tilespmem:s20+$0x6800];
	_ =	sdelay $0x2  }
0x6f: {  	v0 =	vadd.f32 v1, v0;
	_ =	sdelay $0x1  }
0x70: {  	v0 =	vadd.f32 v2, v0;
	_ =	sdelay $0x1  }
0x71: {  	s16 =	sadd.s32 $0x800, s15;
	[tilespmem:s20+$0xC800] =	vst v0;
	v0 =	vld [tilespmem:s20+$0xC810]  }
0x72: {  	v1 =	vld [tilespmem:s16+$0x10];
	_ =	sdelay $0x1  }
0x73: {  	v2 =	vld [tilespmem:s20+$0x6810];
	_ =	sdelay $0x2  }
0x74: {  	v0 =	vadd.f32 v1, v0;
	_ =	sdelay $0x1  }
0x75: {  	v0 =	vadd.f32 v2, v0;
	_ =	sdelay $0x1  }
0x76: {  	[tilespmem:s20+$0xC810] =	vst v0;
	v0 =	vld [tilespmem:s20+$0xC820]  }
0x77: {  	v1 =	vld [tilespmem:s16+$0x20];
	_ =	sdelay $0x1  }
0x78: {  	v2 =	vld [tilespmem:s20+$0x6820];
	_ =	sdelay $0x2  }
0x79: {  	v0 =	vadd.f32 v1, v0;
	_ =	sdelay $0x1  }
0x7a: {  	v0 =	vadd.f32 v2, v0;
	_ =	sdelay $0x1  }
0x7b: {  	[tilespmem:s20+$0xC820] =	vst v0;
	v0 =	vld [tilespmem:s20+$0xC830]  }
0x7c: {  	v1 =	vld [tilespmem:s16+$0x30];
	_ =	sdelay $0x1  }
0x7d: {  	v2 =	vld [tilespmem:s20+$0x6830];
	_ =	sdelay $0x2  }
0x7e: {  	v0 =	vadd.f32 v1, v0;
	_ =	sdelay $0x1  }
0x7f: {  	v0 =	vadd.f32 v2, v0;
	_ =	sdelay $0x1  }
0x80: {  	[tilespmem:s20+$0xC830] =	vst v0;
	v0 =	vld [tilespmem:s20+$0xC840]  }
0x81: {  	v1 =	vld [tilespmem:s16+$0x40];
	_ =	sdelay $0x1  }
0x82: {  	v2 =	vld [tilespmem:s20+$0x6840];
	_ =	sdelay $0x2  }
0x83: {  	v0 =	vadd.f32 v1, v0;
	_ =	sdelay $0x1  }
0x84: {  	v0 =	vadd.f32 v2, v0;
	_ =	sdelay $0x1  }
0x85: {  	[tilespmem:s20+$0xC840] =	vst v0;
	v0 =	vld [tilespmem:s20+$0xC850]  }
0x86: {  	v1 =	vld [tilespmem:s16+$0x50];
	_ =	sdelay $0x1  }
0x87: {  	v2 =	vld [tilespmem:s20+$0x6850];
	_ =	sdelay $0x2  }
0x88: {  	v0 =	vadd.f32 v1, v0;
	_ =	sdelay $0x1  }
0x89: {  	v0 =	vadd.f32 v2, v0;
	_ =	sdelay $0x1  }
0x8a: {  	[tilespmem:s20+$0xC850] =	vst v0;
	v0 =	vld [tilespmem:s20+$0xC860]  }
0x8b: {  	v1 =	vld [tilespmem:s16+$0x60];
	_ =	sdelay $0x1  }
0x8c: {  	v2 =	vld [tilespmem:s20+$0x6860];
	_ =	sdelay $0x2  }
0x8d: {  	v0 =	vadd.f32 v1, v0;
	_ =	sdelay $0x1  }
0x8e: {  	v0 =	vadd.f32 v2, v0;
	_ =	sdelay $0x1  }
0x8f: {  	[tilespmem:s20+$0xC860] =	vst v0;
	v0 =	vld [tilespmem:s20+$0xC870]  }
0x90: {  	v1 =	vld [tilespmem:s16+$0x70];
	_ =	sdelay $0x1  }
0x91: {  	v2 =	vld [tilespmem:s20+$0x6870];
	_ =	sdelay $0x2  }
0x92: {  	v0 =	vadd.f32 v1, v0;
	_ =	sdelay $0x1  }
0x93: {  	v0 =	vadd.f32 v2, v0;
	_ =	sdelay $0x1  }
0x94: {  	[tilespmem:s20+$0xC870] =	vst v0;
	v0 =	vld [tilespmem:s20+$0xCC00]  }
0x95: {  	v1 =	vld [tilespmem:s15+$0xC00];
	_ =	sdelay $0x1  }
0x96: {  	v2 =	vld [tilespmem:s20+$0x6C00];
	_ =	sdelay $0x2  }
0x97: {  	v0 =	vadd.f32 v1, v0;
	_ =	sdelay $0x1  }
0x98: {  	v0 =	vadd.f32 v2, v0;
	_ =	sdelay $0x1  }
0x99: {  	s17 =	sadd.s32 $0xC00, s15;
	[tilespmem:s20+$0xCC00] =	vst v0;
	v0 =	vld [tilespmem:s20+$0xCC10]  }
0x9a: {  	v1 =	vld [tilespmem:s17+$0x10];
	_ =	sdelay $0x1  }
0x9b: {  	v2 =	vld [tilespmem:s20+$0x6C10];
	_ =	sdelay $0x2  }
0x9c: {  	v0 =	vadd.f32 v1, v0;
	_ =	sdelay $0x1  }
0x9d: {  	v0 =	vadd.f32 v2, v0;
	_ =	sdelay $0x1  }
0x9e: {  	[tilespmem:s20+$0xCC10] =	vst v0;
	v0 =	vld [tilespmem:s20+$0xCC20]  }
0x9f: {  	v1 =	vld [tilespmem:s17+$0x20];
	_ =	sdelay $0x1  }
0xa0: {  	v2 =	vld [tilespmem:s20+$0x6C20];
	_ =	sdelay $0x2  }
0xa1: {  	v0 =	vadd.f32 v1, v0;
	_ =	sdelay $0x1  }
0xa2: {  	v0 =	vadd.f32 v2, v0;
	_ =	sdelay $0x1  }
0xa3: {  	[tilespmem:s20+$0xCC20] =	vst v0;
	v0 =	vld [tilespmem:s20+$0xCC30]  }
0xa4: {  	v1 =	vld [tilespmem:s17+$0x30];
	_ =	sdelay $0x1  }
0xa5: {  	v2 =	vld [tilespmem:s20+$0x6C30];
	_ =	sdelay $0x2  }
0xa6: {  	v0 =	vadd.f32 v1, v0;
	_ =	sdelay $0x1  }
0xa7: {  	v0 =	vadd.f32 v2, v0;
	_ =	sdelay $0x1  }
0xa8: {  	[tilespmem:s20+$0xCC30] =	vst v0;
	v0 =	vld [tilespmem:s20+$0xCC40]  }
0xa9: {  	v1 =	vld [tilespmem:s17+$0x40];
	_ =	sdelay $0x1  }
0xaa: {  	v2 =	vld [tilespmem:s20+$0x6C40];
	_ =	sdelay $0x2  }
0xab: {  	v0 =	vadd.f32 v1, v0;
	_ =	sdelay $0x1  }
0xac: {  	v0 =	vadd.f32 v2, v0;
	_ =	sdelay $0x1  }
0xad: {  	[tilespmem:s20+$0xCC40] =	vst v0;
	v0 =	vld [tilespmem:s20+$0xCC50]  }
0xae: {  	v1 =	vld [tilespmem:s17+$0x50];
	_ =	sdelay $0x1  }
0xaf: {  	v2 =	vld [tilespmem:s20+$0x6C50];
	_ =	sdelay $0x2  }
0xb0: {  	v0 =	vadd.f32 v1, v0;
	_ =	sdelay $0x1  }
0xb1: {  	v0 =	vadd.f32 v2, v0;
	_ =	sdelay $0x1  }
0xb2: {  	[tilespmem:s20+$0xCC50] =	vst v0;
	v0 =	vld [tilespmem:s20+$0xCC60]  }
0xb3: {  	v1 =	vld [tilespmem:s17+$0x60];
	_ =	sdelay $0x1  }
0xb4: {  	v2 =	vld [tilespmem:s20+$0x6C60];
	_ =	sdelay $0x2  }
0xb5: {  	v0 =	vadd.f32 v1, v0;
	_ =	sdelay $0x1  }
0xb6: {  	v0 =	vadd.f32 v2, v0;
	_ =	sdelay $0x1  }
0xb7: {  	[tilespmem:s20+$0xCC60] =	vst v0;
	v0 =	vld [tilespmem:s20+$0xCC70]  }
0xb8: {  	v1 =	vld [tilespmem:s17+$0x70];
	_ =	sdelay $0x1  }
0xb9: {  	v2 =	vld [tilespmem:s20+$0x6C70];
	_ =	sdelay $0x2  }
0xba: {  	v0 =	vadd.f32 v1, v0;
	_ =	sdelay $0x1  }
0xbb: {  	v0 =	vadd.f32 v2, v0;
	_ =	sdelay $0x1  }
0xbc: {  	[tilespmem:s20+$0xCC70] =	vst v0;
	v0 =	vld [tilespmem:s20+$0xD000]  }
0xbd: {  	v1 =	vld [tilespmem:s15+$0x1000];
	_ =	sdelay $0x1  }
0xbe: {  	v2 =	vld [tilespmem:s20+$0x7000];
	_ =	sdelay $0x2  }
0xbf: {  	v0 =	vadd.f32 v1, v0;
	_ =	sdelay $0x1  }
0xc0: {  	v0 =	vadd.f32 v2, v0;
	_ =	sdelay $0x1  }
0xc1: {  	s18 =	sadd.s32 $0x1000, s15;
	[tilespmem:s20+$0xD000] =	vst v0;
	v0 =	vld [tilespmem:s20+$0xD010]  }
0xc2: {  	v1 =	vld [tilespmem:s18+$0x10];
	_ =	sdelay $0x1  }
0xc3: {  	v2 =	vld [tilespmem:s20+$0x7010];
	_ =	sdelay $0x2  }
0xc4: {  	v0 =	vadd.f32 v1, v0;
	_ =	sdelay $0x1  }
0xc5: {  	v0 =	vadd.f32 v2, v0;
	_ =	sdelay $0x1  }
0xc6: {  	[tilespmem:s20+$0xD010] =	vst v0;
	v0 =	vld [tilespmem:s20+$0xD020]  }
0xc7: {  	v1 =	vld [tilespmem:s18+$0x20];
	_ =	sdelay $0x1  }
0xc8: {  	v2 =	vld [tilespmem:s20+$0x7020];
	_ =	sdelay $0x2  }
0xc9: {  	v0 =	vadd.f32 v1, v0;
	_ =	sdelay $0x1  }
0xca: {  	v0 =	vadd.f32 v2, v0;
	_ =	sdelay $0x1  }
0xcb: {  	[tilespmem:s20+$0xD020] =	vst v0;
	v0 =	vld [tilespmem:s20+$0xD030]  }
0xcc: {  	v1 =	vld [tilespmem:s18+$0x30];
	_ =	sdelay $0x1  }
0xcd: {  	v2 =	vld [tilespmem:s20+$0x7030];
	_ =	sdelay $0x2  }
0xce: {  	v0 =	vadd.f32 v1, v0;
	_ =	sdelay $0x1  }
0xcf: {  	v0 =	vadd.f32 v2, v0;
	_ =	sdelay $0x1  }
0xd0: {  	[tilespmem:s20+$0xD030] =	vst v0;
	v0 =	vld [tilespmem:s20+$0xD040]  }
0xd1: {  	v1 =	vld [tilespmem:s18+$0x40];
	_ =	sdelay $0x1  }
0xd2: {  	v2 =	vld [tilespmem:s20+$0x7040];
	_ =	sdelay $0x2  }
0xd3: {  	v0 =	vadd.f32 v1, v0;
	_ =	sdelay $0x1  }
0xd4: {  	v0 =	vadd.f32 v2, v0;
	_ =	sdelay $0x1  }
0xd5: {  	[tilespmem:s20+$0xD040] =	vst v0;
	v0 =	vld [tilespmem:s20+$0xD050]  }
0xd6: {  	v1 =	vld [tilespmem:s18+$0x50];
	_ =	sdelay $0x1  }
0xd7: {  	v2 =	vld [tilespmem:s20+$0x7050];
	_ =	sdelay $0x2  }
0xd8: {  	v0 =	vadd.f32 v1, v0;
	_ =	sdelay $0x1  }
0xd9: {  	v0 =	vadd.f32 v2, v0;
	_ =	sdelay $0x1  }
0xda: {  	[tilespmem:s20+$0xD050] =	vst v0;
	v0 =	vld [tilespmem:s20+$0xD060]  }
0xdb: {  	v1 =	vld [tilespmem:s18+$0x60];
	_ =	sdelay $0x1  }
0xdc: {  	v2 =	vld [tilespmem:s20+$0x7060];
	_ =	sdelay $0x2  }
0xdd: {  	v0 =	vadd.f32 v1, v0;
	_ =	sdelay $0x1  }
0xde: {  	v0 =	vadd.f32 v2, v0;
	_ =	sdelay $0x1  }
0xdf: {  	[tilespmem:s20+$0xD060] =	vst v0;
	v0 =	vld [tilespmem:s20+$0xD070]  }
0xe0: {  	v1 =	vld [tilespmem:s18+$0x70];
	_ =	sdelay $0x1  }
0xe1: {  	v2 =	vld [tilespmem:s20+$0x7070];
	_ =	sdelay $0x2  }
0xe2: {  	v0 =	vadd.f32 v1, v0;
	_ =	sdelay $0x1  }
0xe3: {  	v0 =	vadd.f32 v2, v0;
	_ =	sdelay $0x1  }
0xe4: {  	[tilespmem:s20+$0xD070] =	vst v0;
	v0 =	vld [tilespmem:s20+$0xD400]  }
0xe5: {  	v1 =	vld [tilespmem:s15+$0x1400];
	_ =	sdelay $0x1  }
0xe6: {  	v2 =	vld [tilespmem:s20+$0x7400];
	_ =	sdelay $0x2  }
0xe7: {  	v0 =	vadd.f32 v1, v0;
	_ =	sdelay $0x1  }
0xe8: {  	v0 =	vadd.f32 v2, v0;
	_ =	sdelay $0x1  }
0xe9: {  	s19 =	sadd.s32 $0x1400, s15;
	[tilespmem:s20+$0xD400] =	vst v0;
	v0 =	vld [tilespmem:s20+$0xD410]  }
0xea: {  	v1 =	vld [tilespmem:s19+$0x10];
	_ =	sdelay $0x1  }
0xeb: {  	v2 =	vld [tilespmem:s20+$0x7410];
	_ =	sdelay $0x2  }
0xec: {  	v0 =	vadd.f32 v1, v0;
	_ =	sdelay $0x1  }
0xed: {  	v0 =	vadd.f32 v2, v0;
	_ =	sdelay $0x1  }
0xee: {  	[tilespmem:s20+$0xD410] =	vst v0;
	v0 =	vld [tilespmem:s20+$0xD420]  }
0xef: {  	v1 =	vld [tilespmem:s19+$0x20];
	_ =	sdelay $0x1  }
0xf0: {  	v2 =	vld [tilespmem:s20+$0x7420];
	_ =	sdelay $0x2  }
0xf1: {  	v0 =	vadd.f32 v1, v0;
	_ =	sdelay $0x1  }
0xf2: {  	v0 =	vadd.f32 v2, v0;
	_ =	sdelay $0x1  }
0xf3: {  	[tilespmem:s20+$0xD420] =	vst v0;
	v0 =	vld [tilespmem:s20+$0xD430]  }
0xf4: {  	v1 =	vld [tilespmem:s19+$0x30];
	_ =	sdelay $0x1  }
0xf5: {  	v2 =	vld [tilespmem:s20+$0x7430];
	_ =	sdelay $0x2  }
0xf6: {  	v0 =	vadd.f32 v1, v0;
	_ =	sdelay $0x1  }
0xf7: {  	v0 =	vadd.f32 v2, v0;
	_ =	sdelay $0x1  }
0xf8: {  	[tilespmem:s20+$0xD430] =	vst v0;
	v0 =	vld [tilespmem:s20+$0xD440]  }
0xf9: {  	v1 =	vld [tilespmem:s19+$0x40];
	_ =	sdelay $0x1  }
0xfa: {  	v2 =	vld [tilespmem:s20+$0x7440];
	_ =	sdelay $0x2  }
0xfb: {  	v0 =	vadd.f32 v1, v0;
	_ =	sdelay $0x1  }
0xfc: {  	v0 =	vadd.f32 v2, v0;
	_ =	sdelay $0x1  }
0xfd: {  	[tilespmem:s20+$0xD440] =	vst v0;
	v0 =	vld [tilespmem:s20+$0xD450]  }
0xfe: {  	v1 =	vld [tilespmem:s19+$0x50];
	_ =	sdelay $0x1  }
0xff: {  	v2 =	vld [tilespmem:s20+$0x7450];
	_ =	sdelay $0x2  }
0x100: {  	v0 =	vadd.f32 v1, v0;
	_ =	sdelay $0x1  }
0x101: {  	v0 =	vadd.f32 v2, v0;
	_ =	sdelay $0x1  }
0x102: {  	[tilespmem:s20+$0xD450] =	vst v0;
	v0 =	vld [tilespmem:s20+$0xD460]  }
0x103: {  	v1 =	vld [tilespmem:s19+$0x60];
	_ =	sdelay $0x1  }
0x104: {  	v2 =	vld [tilespmem:s20+$0x7460];
	_ =	sdelay $0x2  }
0x105: {  	v0 =	vadd.f32 v1, v0;
	_ =	sdelay $0x1  }
0x106: {  	v0 =	vadd.f32 v2, v0;
	_ =	sdelay $0x1  }
0x107: {  	v1 =	vld [tilespmem:s20+$0xD470];
	[tilespmem:s20+$0xD460] =	vst v0  }
0x108: {  	v2 =	vld [tilespmem:s19+$0x70];
	_ =	sdelay $0x1  }
0x109: {  	v0 =	vld [tilespmem:s20+$0x7470];
	_ =	sdelay $0x2  }
0x10a: {  	s21 =	simm.s32 $0x0;
	v1 =	vadd.f32 v2, v1  }
0x10b: {  	s22 =	simm.s32 $0x2;
	s23 =	smul.u32 $0x1800, s21;
	s21 =	simm.s32 $0x80  }
.LBB2_3:
0x10c: {  	p0 =	sne.s32 s22, $0x1F;
	s24 =	sand.u32 $0x380, s21;
	v0 =	vadd.f32 v0, v1  }
0x10d: {  	s23 =	sor.u32 s24, s23  }
0x10e: {  	v1 =	vld [tilespmem:s23+$0xC000];
	[tilespmem:s20+$0xD470] =	vst v0;
	s20 =	smov.u32 s23  }
0x10f: {  	v0 =	vld [tilespmem:s15+$0x0];
	_ =	sdelay $0x1  }
0x110: {  	v2 =	vld [tilespmem:s20+$0x6000];
	_ =	sdelay $0x2  }
0x111: {  	v0 =	vadd.f32 v0, v1;
	_ =	sdelay $0x1  }
0x112: {  	v0 =	vadd.f32 v2, v0;
	_ =	sdelay $0x1  }
0x113: {  	[tilespmem:s20+$0xC000] =	vst v0;
	v0 =	vld [tilespmem:s20+$0xC010]  }
0x114: {  	v1 =	vld [tilespmem:s15+$0x10];
	_ =	sdelay $0x1  }
0x115: {  	v2 =	vld [tilespmem:s20+$0x6010];
	_ =	sdelay $0x2  }
0x116: {  	v0 =	vadd.f32 v1, v0;
	_ =	sdelay $0x1  }
0x117: {  	v0 =	vadd.f32 v2, v0;
	_ =	sdelay $0x1  }
0x118: {  	[tilespmem:s20+$0xC010] =	vst v0;
	v0 =	vld [tilespmem:s20+$0xC020]  }
0x119: {  	v1 =	vld [tilespmem:s15+$0x20];
	_ =	sdelay $0x1  }
0x11a: {  	v2 =	vld [tilespmem:s20+$0x6020];
	_ =	sdelay $0x2  }
0x11b: {  	v0 =	vadd.f32 v1, v0;
	_ =	sdelay $0x1  }
0x11c: {  	v0 =	vadd.f32 v2, v0;
	_ =	sdelay $0x1  }
0x11d: {  	[tilespmem:s20+$0xC020] =	vst v0;
	v0 =	vld [tilespmem:s20+$0xC030]  }
0x11e: {  	v1 =	vld [tilespmem:s15+$0x30];
	_ =	sdelay $0x1  }
0x11f: {  	v2 =	vld [tilespmem:s20+$0x6030];
	_ =	sdelay $0x2  }
0x120: {  	v0 =	vadd.f32 v1, v0;
	_ =	sdelay $0x1  }
0x121: {  	v0 =	vadd.f32 v2, v0;
	_ =	sdelay $0x1  }
0x122: {  	[tilespmem:s20+$0xC030] =	vst v0;
	v0 =	vld [tilespmem:s20+$0xC040]  }
0x123: {  	v1 =	vld [tilespmem:s15+$0x40];
	_ =	sdelay $0x1  }
0x124: {  	v2 =	vld [tilespmem:s20+$0x6040];
	_ =	sdelay $0x2  }
0x125: {  	v0 =	vadd.f32 v1, v0;
	_ =	sdelay $0x1  }
0x126: {  	v0 =	vadd.f32 v2, v0;
	_ =	sdelay $0x1  }
0x127: {  	[tilespmem:s20+$0xC040] =	vst v0;
	v0 =	vld [tilespmem:s20+$0xC050]  }
0x128: {  	v1 =	vld [tilespmem:s15+$0x50];
	_ =	sdelay $0x1  }
0x129: {  	v2 =	vld [tilespmem:s20+$0x6050];
	_ =	sdelay $0x2  }
0x12a: {  	v0 =	vadd.f32 v1, v0;
	_ =	sdelay $0x1  }
0x12b: {  	v0 =	vadd.f32 v2, v0;
	_ =	sdelay $0x1  }
0x12c: {  	[tilespmem:s20+$0xC050] =	vst v0;
	v0 =	vld [tilespmem:s20+$0xC060]  }
0x12d: {  	v1 =	vld [tilespmem:s15+$0x60];
	_ =	sdelay $0x1  }
0x12e: {  	v2 =	vld [tilespmem:s20+$0x6060];
	_ =	sdelay $0x2  }
0x12f: {  	v0 =	vadd.f32 v1, v0;
	_ =	sdelay $0x1  }
0x130: {  	v0 =	vadd.f32 v2, v0;
	_ =	sdelay $0x1  }
0x131: {  	[tilespmem:s20+$0xC060] =	vst v0;
	v0 =	vld [tilespmem:s20+$0xC070]  }
0x132: {  	v1 =	vld [tilespmem:s15+$0x70];
	_ =	sdelay $0x1  }
0x133: {  	v2 =	vld [tilespmem:s20+$0x6070];
	_ =	sdelay $0x2  }
0x134: {  	v0 =	vadd.f32 v1, v0;
	_ =	sdelay $0x1  }
0x135: {  	v0 =	vadd.f32 v2, v0;
	_ =	sdelay $0x1  }
0x136: {  	[tilespmem:s20+$0xC070] =	vst v0;
	v0 =	vld [tilespmem:s20+$0xC400]  }
0x137: {  	v1 =	vld [tilespmem:s15+$0x400];
	_ =	sdelay $0x1  }
0x138: {  	v2 =	vld [tilespmem:s20+$0x6400];
	_ =	sdelay $0x2  }
0x139: {  	v0 =	vadd.f32 v1, v0;
	_ =	sdelay $0x1  }
0x13a: {  	v0 =	vadd.f32 v2, v0;
	_ =	sdelay $0x1  }
0x13b: {  	[tilespmem:s20+$0xC400] =	vst v0;
	v0 =	vld [tilespmem:s20+$0xC410]  }
0x13c: {  	v1 =	vld [tilespmem:s15+$0x410];
	_ =	sdelay $0x1  }
0x13d: {  	v2 =	vld [tilespmem:s20+$0x6410];
	_ =	sdelay $0x2  }
0x13e: {  	v0 =	vadd.f32 v1, v0;
	_ =	sdelay $0x1  }
0x13f: {  	v0 =	vadd.f32 v2, v0;
	_ =	sdelay $0x1  }
0x140: {  	[tilespmem:s20+$0xC410] =	vst v0;
	v0 =	vld [tilespmem:s20+$0xC420]  }
0x141: {  	v1 =	vld [tilespmem:s15+$0x420];
	_ =	sdelay $0x1  }
0x142: {  	v2 =	vld [tilespmem:s20+$0x6420];
	_ =	sdelay $0x2  }
0x143: {  	v0 =	vadd.f32 v1, v0;
	_ =	sdelay $0x1  }
0x144: {  	v0 =	vadd.f32 v2, v0;
	_ =	sdelay $0x1  }
0x145: {  	[tilespmem:s20+$0xC420] =	vst v0;
	v0 =	vld [tilespmem:s20+$0xC430]  }
0x146: {  	v1 =	vld [tilespmem:s15+$0x430];
	_ =	sdelay $0x1  }
0x147: {  	v2 =	vld [tilespmem:s20+$0x6430];
	_ =	sdelay $0x2  }
0x148: {  	v0 =	vadd.f32 v1, v0;
	_ =	sdelay $0x1  }
0x149: {  	v0 =	vadd.f32 v2, v0;
	_ =	sdelay $0x1  }
0x14a: {  	[tilespmem:s20+$0xC430] =	vst v0;
	v0 =	vld [tilespmem:s20+$0xC440]  }
0x14b: {  	v1 =	vld [tilespmem:s15+$0x440];
	_ =	sdelay $0x1  }
0x14c: {  	v2 =	vld [tilespmem:s20+$0x6440];
	_ =	sdelay $0x2  }
0x14d: {  	v0 =	vadd.f32 v1, v0;
	_ =	sdelay $0x1  }
0x14e: {  	v0 =	vadd.f32 v2, v0;
	_ =	sdelay $0x1  }
0x14f: {  	[tilespmem:s20+$0xC440] =	vst v0;
	v0 =	vld [tilespmem:s20+$0xC450]  }
0x150: {  	v1 =	vld [tilespmem:s15+$0x450];
	_ =	sdelay $0x1  }
0x151: {  	v2 =	vld [tilespmem:s20+$0x6450];
	_ =	sdelay $0x2  }
0x152: {  	v0 =	vadd.f32 v1, v0;
	_ =	sdelay $0x1  }
0x153: {  	v0 =	vadd.f32 v2, v0;
	_ =	sdelay $0x1  }
0x154: {  	[tilespmem:s20+$0xC450] =	vst v0;
	v0 =	vld [tilespmem:s20+$0xC460]  }
0x155: {  	v1 =	vld [tilespmem:s15+$0x460];
	_ =	sdelay $0x1  }
0x156: {  	v2 =	vld [tilespmem:s20+$0x6460];
	_ =	sdelay $0x2  }
0x157: {  	v0 =	vadd.f32 v1, v0;
	_ =	sdelay $0x1  }
0x158: {  	v0 =	vadd.f32 v2, v0;
	_ =	sdelay $0x1  }
0x159: {  	[tilespmem:s20+$0xC460] =	vst v0;
	v0 =	vld [tilespmem:s20+$0xC470]  }
0x15a: {  	v1 =	vld [tilespmem:s15+$0x470];
	_ =	sdelay $0x1  }
0x15b: {  	v2 =	vld [tilespmem:s20+$0x6470];
	_ =	sdelay $0x2  }
0x15c: {  	v0 =	vadd.f32 v1, v0;
	_ =	sdelay $0x1  }
0x15d: {  	v0 =	vadd.f32 v2, v0;
	_ =	sdelay $0x1  }
0x15e: {  	[tilespmem:s20+$0xC470] =	vst v0;
	v0 =	vld [tilespmem:s20+$0xC800]  }
0x15f: {  	v1 =	vld [tilespmem:s15+$0x800];
	_ =	sdelay $0x1  }
0x160: {  	v2 =	vld [tilespmem:s20+$0x6800];
	_ =	sdelay $0x2  }
0x161: {  	v0 =	vadd.f32 v1, v0;
	_ =	sdelay $0x1  }
0x162: {  	v0 =	vadd.f32 v2, v0;
	_ =	sdelay $0x1  }
0x163: {  	[tilespmem:s20+$0xC800] =	vst v0;
	v0 =	vld [tilespmem:s20+$0xC810]  }
0x164: {  	v1 =	vld [tilespmem:s16+$0x10];
	_ =	sdelay $0x1  }
0x165: {  	v2 =	vld [tilespmem:s20+$0x6810];
	_ =	sdelay $0x2  }
0x166: {  	v0 =	vadd.f32 v1, v0;
	_ =	sdelay $0x1  }
0x167: {  	v0 =	vadd.f32 v2, v0;
	_ =	sdelay $0x1  }
0x168: {  	[tilespmem:s20+$0xC810] =	vst v0;
	v0 =	vld [tilespmem:s20+$0xC820]  }
0x169: {  	v1 =	vld [tilespmem:s16+$0x20];
	_ =	sdelay $0x1  }
0x16a: {  	v2 =	vld [tilespmem:s20+$0x6820];
	_ =	sdelay $0x2  }
0x16b: {  	v0 =	vadd.f32 v1, v0;
	_ =	sdelay $0x1  }
0x16c: {  	v0 =	vadd.f32 v2, v0;
	_ =	sdelay $0x1  }
0x16d: {  	[tilespmem:s20+$0xC820] =	vst v0;
	v0 =	vld [tilespmem:s20+$0xC830]  }
0x16e: {  	v1 =	vld [tilespmem:s16+$0x30];
	_ =	sdelay $0x1  }
0x16f: {  	v2 =	vld [tilespmem:s20+$0x6830];
	_ =	sdelay $0x2  }
0x170: {  	v0 =	vadd.f32 v1, v0;
	_ =	sdelay $0x1  }
0x171: {  	v0 =	vadd.f32 v2, v0;
	_ =	sdelay $0x1  }
0x172: {  	[tilespmem:s20+$0xC830] =	vst v0;
	v0 =	vld [tilespmem:s20+$0xC840]  }
0x173: {  	v1 =	vld [tilespmem:s16+$0x40];
	_ =	sdelay $0x1  }
0x174: {  	v2 =	vld [tilespmem:s20+$0x6840];
	_ =	sdelay $0x2  }
0x175: {  	v0 =	vadd.f32 v1, v0;
	_ =	sdelay $0x1  }
0x176: {  	v0 =	vadd.f32 v2, v0;
	_ =	sdelay $0x1  }
0x177: {  	[tilespmem:s20+$0xC840] =	vst v0;
	v0 =	vld [tilespmem:s20+$0xC850]  }
0x178: {  	v1 =	vld [tilespmem:s16+$0x50];
	_ =	sdelay $0x1  }
0x179: {  	v2 =	vld [tilespmem:s20+$0x6850];
	_ =	sdelay $0x2  }
0x17a: {  	v0 =	vadd.f32 v1, v0;
	_ =	sdelay $0x1  }
0x17b: {  	v0 =	vadd.f32 v2, v0;
	_ =	sdelay $0x1  }
0x17c: {  	[tilespmem:s20+$0xC850] =	vst v0;
	v0 =	vld [tilespmem:s20+$0xC860]  }
0x17d: {  	v1 =	vld [tilespmem:s16+$0x60];
	_ =	sdelay $0x1  }
0x17e: {  	v2 =	vld [tilespmem:s20+$0x6860];
	_ =	sdelay $0x2  }
0x17f: {  	v0 =	vadd.f32 v1, v0;
	_ =	sdelay $0x1  }
0x180: {  	v0 =	vadd.f32 v2, v0;
	_ =	sdelay $0x1  }
0x181: {  	[tilespmem:s20+$0xC860] =	vst v0;
	v0 =	vld [tilespmem:s20+$0xC870]  }
0x182: {  	v1 =	vld [tilespmem:s16+$0x70];
	_ =	sdelay $0x1  }
0x183: {  	v2 =	vld [tilespmem:s20+$0x6870];
	_ =	sdelay $0x2  }
0x184: {  	v0 =	vadd.f32 v1, v0;
	_ =	sdelay $0x1  }
0x185: {  	v0 =	vadd.f32 v2, v0;
	_ =	sdelay $0x1  }
0x186: {  	[tilespmem:s20+$0xC870] =	vst v0;
	v0 =	vld [tilespmem:s20+$0xCC00]  }
0x187: {  	v1 =	vld [tilespmem:s15+$0xC00];
	_ =	sdelay $0x1  }
0x188: {  	v2 =	vld [tilespmem:s20+$0x6C00];
	_ =	sdelay $0x2  }
0x189: {  	v0 =	vadd.f32 v1, v0;
	_ =	sdelay $0x1  }
0x18a: {  	v0 =	vadd.f32 v2, v0;
	_ =	sdelay $0x1  }
0x18b: {  	[tilespmem:s20+$0xCC00] =	vst v0;
	v0 =	vld [tilespmem:s20+$0xCC10]  }
0x18c: {  	v1 =	vld [tilespmem:s17+$0x10];
	_ =	sdelay $0x1  }
0x18d: {  	v2 =	vld [tilespmem:s20+$0x6C10];
	_ =	sdelay $0x2  }
0x18e: {  	v0 =	vadd.f32 v1, v0;
	_ =	sdelay $0x1  }
0x18f: {  	v0 =	vadd.f32 v2, v0;
	_ =	sdelay $0x1  }
0x190: {  	[tilespmem:s20+$0xCC10] =	vst v0;
	v0 =	vld [tilespmem:s20+$0xCC20]  }
0x191: {  	v1 =	vld [tilespmem:s17+$0x20];
	_ =	sdelay $0x1  }
0x192: {  	v2 =	vld [tilespmem:s20+$0x6C20];
	_ =	sdelay $0x2  }
0x193: {  	v0 =	vadd.f32 v1, v0;
	_ =	sdelay $0x1  }
0x194: {  	v0 =	vadd.f32 v2, v0;
	_ =	sdelay $0x1  }
0x195: {  	[tilespmem:s20+$0xCC20] =	vst v0;
	v0 =	vld [tilespmem:s20+$0xCC30]  }
0x196: {  	v1 =	vld [tilespmem:s17+$0x30];
	_ =	sdelay $0x1  }
0x197: {  	v2 =	vld [tilespmem:s20+$0x6C30];
	_ =	sdelay $0x2  }
0x198: {  	v0 =	vadd.f32 v1, v0;
	_ =	sdelay $0x1  }
0x199: {  	v0 =	vadd.f32 v2, v0;
	_ =	sdelay $0x1  }
0x19a: {  	[tilespmem:s20+$0xCC30] =	vst v0;
	v0 =	vld [tilespmem:s20+$0xCC40]  }
0x19b: {  	v1 =	vld [tilespmem:s17+$0x40];
	_ =	sdelay $0x1  }
0x19c: {  	v2 =	vld [tilespmem:s20+$0x6C40];
	_ =	sdelay $0x2  }
0x19d: {  	v0 =	vadd.f32 v1, v0;
	_ =	sdelay $0x1  }
0x19e: {  	v0 =	vadd.f32 v2, v0;
	_ =	sdelay $0x1  }
0x19f: {  	[tilespmem:s20+$0xCC40] =	vst v0;
	v0 =	vld [tilespmem:s20+$0xCC50]  }
0x1a0: {  	v1 =	vld [tilespmem:s17+$0x50];
	_ =	sdelay $0x1  }
0x1a1: {  	v2 =	vld [tilespmem:s20+$0x6C50];
	_ =	sdelay $0x2  }
0x1a2: {  	v0 =	vadd.f32 v1, v0;
	_ =	sdelay $0x1  }
0x1a3: {  	v0 =	vadd.f32 v2, v0;
	_ =	sdelay $0x1  }
0x1a4: {  	[tilespmem:s20+$0xCC50] =	vst v0;
	v0 =	vld [tilespmem:s20+$0xCC60]  }
0x1a5: {  	v1 =	vld [tilespmem:s17+$0x60];
	_ =	sdelay $0x1  }
0x1a6: {  	v2 =	vld [tilespmem:s20+$0x6C60];
	_ =	sdelay $0x2  }
0x1a7: {  	v0 =	vadd.f32 v1, v0;
	_ =	sdelay $0x1  }
0x1a8: {  	v0 =	vadd.f32 v2, v0;
	_ =	sdelay $0x1  }
0x1a9: {  	[tilespmem:s20+$0xCC60] =	vst v0;
	v0 =	vld [tilespmem:s20+$0xCC70]  }
0x1aa: {  	v1 =	vld [tilespmem:s17+$0x70];
	_ =	sdelay $0x1  }
0x1ab: {  	v2 =	vld [tilespmem:s20+$0x6C70];
	_ =	sdelay $0x2  }
0x1ac: {  	v0 =	vadd.f32 v1, v0;
	_ =	sdelay $0x1  }
0x1ad: {  	v0 =	vadd.f32 v2, v0;
	_ =	sdelay $0x1  }
0x1ae: {  	[tilespmem:s20+$0xCC70] =	vst v0;
	v0 =	vld [tilespmem:s20+$0xD000]  }
0x1af: {  	v1 =	vld [tilespmem:s15+$0x1000];
	_ =	sdelay $0x1  }
0x1b0: {  	v2 =	vld [tilespmem:s20+$0x7000];
	_ =	sdelay $0x2  }
0x1b1: {  	v0 =	vadd.f32 v1, v0;
	_ =	sdelay $0x1  }
0x1b2: {  	v0 =	vadd.f32 v2, v0;
	_ =	sdelay $0x1  }
0x1b3: {  	[tilespmem:s20+$0xD000] =	vst v0;
	v0 =	vld [tilespmem:s20+$0xD010]  }
0x1b4: {  	v1 =	vld [tilespmem:s18+$0x10];
	_ =	sdelay $0x1  }
0x1b5: {  	v2 =	vld [tilespmem:s20+$0x7010];
	_ =	sdelay $0x2  }
0x1b6: {  	v0 =	vadd.f32 v1, v0;
	_ =	sdelay $0x1  }
0x1b7: {  	v0 =	vadd.f32 v2, v0;
	_ =	sdelay $0x1  }
0x1b8: {  	[tilespmem:s20+$0xD010] =	vst v0;
	v0 =	vld [tilespmem:s20+$0xD020]  }
0x1b9: {  	v1 =	vld [tilespmem:s18+$0x20];
	_ =	sdelay $0x1  }
0x1ba: {  	v2 =	vld [tilespmem:s20+$0x7020];
	_ =	sdelay $0x2  }
0x1bb: {  	v0 =	vadd.f32 v1, v0;
	_ =	sdelay $0x1  }
0x1bc: {  	v0 =	vadd.f32 v2, v0;
	_ =	sdelay $0x1  }
0x1bd: {  	[tilespmem:s20+$0xD020] =	vst v0;
	v0 =	vld [tilespmem:s20+$0xD030]  }
0x1be: {  	v1 =	vld [tilespmem:s18+$0x30];
	_ =	sdelay $0x1  }
0x1bf: {  	v2 =	vld [tilespmem:s20+$0x7030];
	_ =	sdelay $0x2  }
0x1c0: {  	v0 =	vadd.f32 v1, v0;
	_ =	sdelay $0x1  }
0x1c1: {  	v0 =	vadd.f32 v2, v0;
	_ =	sdelay $0x1  }
0x1c2: {  	[tilespmem:s20+$0xD030] =	vst v0;
	v0 =	vld [tilespmem:s20+$0xD040]  }
0x1c3: {  	v1 =	vld [tilespmem:s18+$0x40];
	_ =	sdelay $0x1  }
0x1c4: {  	v2 =	vld [tilespmem:s20+$0x7040];
	_ =	sdelay $0x2  }
0x1c5: {  	v0 =	vadd.f32 v1, v0;
	_ =	sdelay $0x1  }
0x1c6: {  	v0 =	vadd.f32 v2, v0;
	_ =	sdelay $0x1  }
0x1c7: {  	[tilespmem:s20+$0xD040] =	vst v0;
	v0 =	vld [tilespmem:s20+$0xD050]  }
0x1c8: {  	v1 =	vld [tilespmem:s18+$0x50];
	_ =	sdelay $0x1  }
0x1c9: {  	v2 =	vld [tilespmem:s20+$0x7050];
	_ =	sdelay $0x2  }
0x1ca: {  	v0 =	vadd.f32 v1, v0;
	_ =	sdelay $0x1  }
0x1cb: {  	v0 =	vadd.f32 v2, v0;
	_ =	sdelay $0x1  }
0x1cc: {  	[tilespmem:s20+$0xD050] =	vst v0;
	v0 =	vld [tilespmem:s20+$0xD060]  }
0x1cd: {  	v1 =	vld [tilespmem:s18+$0x60];
	_ =	sdelay $0x1  }
0x1ce: {  	v2 =	vld [tilespmem:s20+$0x7060];
	_ =	sdelay $0x2  }
0x1cf: {  	v0 =	vadd.f32 v1, v0;
	_ =	sdelay $0x1  }
0x1d0: {  	v0 =	vadd.f32 v2, v0;
	_ =	sdelay $0x1  }
0x1d1: {  	[tilespmem:s20+$0xD060] =	vst v0;
	v0 =	vld [tilespmem:s20+$0xD070]  }
0x1d2: {  	v1 =	vld [tilespmem:s18+$0x70];
	_ =	sdelay $0x1  }
0x1d3: {  	v2 =	vld [tilespmem:s20+$0x7070];
	_ =	sdelay $0x2  }
0x1d4: {  	v0 =	vadd.f32 v1, v0;
	_ =	sdelay $0x1  }
0x1d5: {  	v0 =	vadd.f32 v2, v0;
	_ =	sdelay $0x1  }
0x1d6: {  	[tilespmem:s20+$0xD070] =	vst v0;
	v0 =	vld [tilespmem:s20+$0xD400]  }
0x1d7: {  	v1 =	vld [tilespmem:s15+$0x1400];
	_ =	sdelay $0x1  }
0x1d8: {  	v2 =	vld [tilespmem:s20+$0x7400];
	_ =	sdelay $0x2  }
0x1d9: {  	v0 =	vadd.f32 v1, v0;
	_ =	sdelay $0x1  }
0x1da: {  	v0 =	vadd.f32 v2, v0;
	_ =	sdelay $0x1  }
0x1db: {  	[tilespmem:s20+$0xD400] =	vst v0;
	v0 =	vld [tilespmem:s20+$0xD410]  }
0x1dc: {  	v1 =	vld [tilespmem:s19+$0x10];
	_ =	sdelay $0x1  }
0x1dd: {  	v2 =	vld [tilespmem:s20+$0x7410];
	_ =	sdelay $0x2  }
0x1de: {  	v0 =	vadd.f32 v1, v0;
	_ =	sdelay $0x1  }
0x1df: {  	v0 =	vadd.f32 v2, v0;
	_ =	sdelay $0x1  }
0x1e0: {  	[tilespmem:s20+$0xD410] =	vst v0;
	v0 =	vld [tilespmem:s20+$0xD420]  }
0x1e1: {  	v1 =	vld [tilespmem:s19+$0x20];
	_ =	sdelay $0x1  }
0x1e2: {  	v2 =	vld [tilespmem:s20+$0x7420];
	_ =	sdelay $0x2  }
0x1e3: {  	v0 =	vadd.f32 v1, v0;
	_ =	sdelay $0x1  }
0x1e4: {  	v0 =	vadd.f32 v2, v0;
	_ =	sdelay $0x1  }
0x1e5: {  	[tilespmem:s20+$0xD420] =	vst v0;
	v0 =	vld [tilespmem:s20+$0xD430]  }
0x1e6: {  	v1 =	vld [tilespmem:s19+$0x30];
	_ =	sdelay $0x1  }
0x1e7: {  	v2 =	vld [tilespmem:s20+$0x7430];
	_ =	sdelay $0x2  }
0x1e8: {  	v0 =	vadd.f32 v1, v0;
	_ =	sdelay $0x1  }
0x1e9: {  	v0 =	vadd.f32 v2, v0;
	_ =	sdelay $0x1  }
0x1ea: {  	[tilespmem:s20+$0xD430] =	vst v0;
	v0 =	vld [tilespmem:s20+$0xD440]  }
0x1eb: {  	v1 =	vld [tilespmem:s19+$0x40];
	_ =	sdelay $0x1  }
0x1ec: {  	v2 =	vld [tilespmem:s20+$0x7440];
	_ =	sdelay $0x2  }
0x1ed: {  	v0 =	vadd.f32 v1, v0;
	_ =	sdelay $0x1  }
0x1ee: {  	v0 =	vadd.f32 v2, v0;
	_ =	sdelay $0x1  }
0x1ef: {  	[tilespmem:s20+$0xD440] =	vst v0;
	v0 =	vld [tilespmem:s20+$0xD450]  }
0x1f0: {  	v1 =	vld [tilespmem:s19+$0x50];
	_ =	sdelay $0x1  }
0x1f1: {  	v2 =	vld [tilespmem:s20+$0x7450];
	_ =	sdelay $0x2  }
0x1f2: {  	v0 =	vadd.f32 v1, v0;
	_ =	sdelay $0x1  }
0x1f3: {  	v0 =	vadd.f32 v2, v0;
	_ =	sdelay $0x1  }
0x1f4: {  	[tilespmem:s20+$0xD450] =	vst v0;
	v0 =	vld [tilespmem:s20+$0xD460]  }
0x1f5: {  	v1 =	vld [tilespmem:s19+$0x60];
	_ =	sdelay $0x1  }
0x1f6: {  	v2 =	vld [tilespmem:s20+$0x7460];
	_ =	sdelay $0x2  }
0x1f7: {  	v0 =	vadd.f32 v1, v0;
	_ =	sdelay $0x1  }
0x1f8: {  	v0 =	vadd.f32 v2, v0;
	_ =	sdelay $0x1  }
0x1f9: {  	[tilespmem:s20+$0xD460] =	vst v0;
	v1 =	vld [tilespmem:s20+$0xD470]  }
0x1fa: {  	v2 =	vld [tilespmem:s19+$0x70];
	_ =	sdelay $0x1  }
.Ltmp0:
0x1fb: {  	v0 =	vld [tilespmem:s20+$0x7470];
	(pc) =	sbr.rel @p0 .LBB2_3-.Ltmp0, $3  }
0x1fc: {  	_ =	sdelay $0x1  }
0x1fd: {  	s23 =	sshrl.u32 s22, $0x3;
	v1 =	vadd.f32 v2, v1  }
0x1fe: {  	s21 =	sadd.s32 $0x80, s21;
	s22 =	sadd.s32 $0x1, s22;
	s23 =	smul.u32 $0x1800, s23  }
0x1ff: {  	s21 =	sand.u32 $0x380, s21;
	v0 =	vadd.f32 v0, v1  }
0x200: {  	s21 =	sor.u32 s21, s23  }
0x201: {  	v42 =	vld [tilespmem:s21+$0xC000];
	[tilespmem:s20+$0xD470] =	vst v0  }
0x202: {  	v0 =	vld [tilespmem:s15+$0x0];
	_ =	sdelay $0x1  }
0x203: {  	v2 =	vld [tilespmem:s21+$0x6000];
	_ =	sdelay $0x2  }
0x204: {  	v0 =	vadd.f32 v0, v42;
	_ =	sdelay $0x1  }
0x205: {  	v0 =	vadd.f32 v2, v0;
	_ =	sdelay $0x1  }
0x206: {  	v43 =	vld [tilespmem:s21+$0xC010];
	[tilespmem:s21+$0xC000] =	vst v0  }
0x207: {  	v44 =	vld [tilespmem:s15+$0x10];
	_ =	sdelay $0x1  }
0x208: {  	v45 =	vld [tilespmem:s21+$0x6010];
	_ =	sdelay $0x2  }
0x209: {  	v0 =	vadd.f32 v44, v43;
	_ =	sdelay $0x1  }
0x20a: {  	v0 =	vadd.f32 v45, v0;
	_ =	sdelay $0x1  }
0x20b: {  	v46 =	vld [tilespmem:s21+$0xC020];
	[tilespmem:s21+$0xC010] =	vst v0  }
0x20c: {  	v47 =	vld [tilespmem:s15+$0x20];
	_ =	sdelay $0x1  }
0x20d: {  	v48 =	vld [tilespmem:s21+$0x6020];
	_ =	sdelay $0x2  }
0x20e: {  	v0 =	vadd.f32 v47, v46;
	_ =	sdelay $0x1  }
0x20f: {  	v0 =	vadd.f32 v48, v0;
	_ =	sdelay $0x1  }
0x210: {  	v49 =	vld [tilespmem:s21+$0xC030];
	[tilespmem:s21+$0xC020] =	vst v0  }
0x211: {  	v50 =	vld [tilespmem:s15+$0x30];
	_ =	sdelay $0x1  }
0x212: {  	v51 =	vld [tilespmem:s21+$0x6030];
	_ =	sdelay $0x2  }
0x213: {  	v0 =	vadd.f32 v50, v49;
	_ =	sdelay $0x1  }
0x214: {  	v0 =	vadd.f32 v51, v0;
	_ =	sdelay $0x1  }
0x215: {  	v52 =	vld [tilespmem:s21+$0xC040];
	[tilespmem:s21+$0xC030] =	vst v0  }
0x216: {  	v53 =	vld [tilespmem:s15+$0x40];
	_ =	sdelay $0x1  }
0x217: {  	v54 =	vld [tilespmem:s21+$0x6040];
	_ =	sdelay $0x2  }
0x218: {  	v0 =	vadd.f32 v53, v52;
	_ =	sdelay $0x1  }
0x219: {  	v0 =	vadd.f32 v54, v0;
	_ =	sdelay $0x1  }
0x21a: {  	v55 =	vld [tilespmem:s21+$0xC050];
	[tilespmem:s21+$0xC040] =	vst v0  }
0x21b: {  	v56 =	vld [tilespmem:s15+$0x50];
	_ =	sdelay $0x1  }
0x21c: {  	v57 =	vld [tilespmem:s21+$0x6050];
	_ =	sdelay $0x2  }
0x21d: {  	v0 =	vadd.f32 v56, v55;
	_ =	sdelay $0x1  }
0x21e: {  	v0 =	vadd.f32 v57, v0;
	_ =	sdelay $0x1  }
0x21f: {  	v58 =	vld [tilespmem:s21+$0xC060];
	[tilespmem:s21+$0xC050] =	vst v0  }
0x220: {  	v59 =	vld [tilespmem:s15+$0x60];
	_ =	sdelay $0x1  }
0x221: {  	v60 =	vld [tilespmem:s21+$0x6060];
	_ =	sdelay $0x2  }
0x222: {  	v0 =	vadd.f32 v59, v58;
	_ =	sdelay $0x1  }
0x223: {  	v0 =	vadd.f32 v60, v0;
	_ =	sdelay $0x1  }
0x224: {  	v61 =	vld [tilespmem:s21+$0xC070];
	[tilespmem:s21+$0xC060] =	vst v0  }
0x225: {  	v62 =	vld [tilespmem:s15+$0x70];
	_ =	sdelay $0x1  }
0x226: {  	v63 =	vld [tilespmem:s21+$0x6070];
	_ =	sdelay $0x2  }
0x227: {  	v0 =	vadd.f32 v62, v61;
	_ =	sdelay $0x1  }
0x228: {  	v0 =	vadd.f32 v63, v0;
	_ =	sdelay $0x1  }
0x229: {  	v4 =	vld [tilespmem:s21+$0xC400];
	[tilespmem:s21+$0xC070] =	vst v0  }
0x22a: {  	v5 =	vld [tilespmem:s15+$0x400];
	_ =	sdelay $0x1  }
0x22b: {  	v6 =	vld [tilespmem:s21+$0x6400];
	_ =	sdelay $0x2  }
0x22c: {  	v0 =	vadd.f32 v5, v4;
	_ =	sdelay $0x1  }
0x22d: {  	v0 =	vadd.f32 v6, v0;
	_ =	sdelay $0x1  }
0x22e: {  	v7 =	vld [tilespmem:s21+$0xC410];
	[tilespmem:s21+$0xC400] =	vst v0  }
0x22f: {  	v8 =	vld [tilespmem:s15+$0x410];
	_ =	sdelay $0x1  }
0x230: {  	v9 =	vld [tilespmem:s21+$0x6410];
	_ =	sdelay $0x2  }
0x231: {  	v0 =	vadd.f32 v8, v7;
	_ =	sdelay $0x1  }
0x232: {  	v0 =	vadd.f32 v9, v0;
	_ =	sdelay $0x1  }
0x233: {  	v10 =	vld [tilespmem:s21+$0xC420];
	[tilespmem:s21+$0xC410] =	vst v0  }
0x234: {  	v11 =	vld [tilespmem:s15+$0x420];
	_ =	sdelay $0x1  }
0x235: {  	v12 =	vld [tilespmem:s21+$0x6420];
	_ =	sdelay $0x2  }
0x236: {  	v0 =	vadd.f32 v11, v10;
	_ =	sdelay $0x1  }
0x237: {  	v0 =	vadd.f32 v12, v0;
	_ =	sdelay $0x1  }
0x238: {  	v13 =	vld [tilespmem:s21+$0xC430];
	[tilespmem:s21+$0xC420] =	vst v0  }
0x239: {  	v14 =	vld [tilespmem:s15+$0x430];
	_ =	sdelay $0x1  }
0x23a: {  	v15 =	vld [tilespmem:s21+$0x6430];
	_ =	sdelay $0x2  }
0x23b: {  	v0 =	vadd.f32 v14, v13;
	_ =	sdelay $0x1  }
0x23c: {  	v0 =	vadd.f32 v15, v0;
	_ =	sdelay $0x1  }
0x23d: {  	v16 =	vld [tilespmem:s21+$0xC440];
	[tilespmem:s21+$0xC430] =	vst v0  }
0x23e: {  	v17 =	vld [tilespmem:s15+$0x440];
	_ =	sdelay $0x1  }
0x23f: {  	v18 =	vld [tilespmem:s21+$0x6440];
	_ =	sdelay $0x2  }
0x240: {  	v0 =	vadd.f32 v17, v16;
	_ =	sdelay $0x1  }
0x241: {  	v0 =	vadd.f32 v18, v0;
	_ =	sdelay $0x1  }
0x242: {  	v19 =	vld [tilespmem:s21+$0xC450];
	[tilespmem:s21+$0xC440] =	vst v0  }
0x243: {  	v20 =	vld [tilespmem:s15+$0x450];
	_ =	sdelay $0x1  }
0x244: {  	v21 =	vld [tilespmem:s21+$0x6450];
	_ =	sdelay $0x2  }
0x245: {  	v0 =	vadd.f32 v20, v19;
	_ =	sdelay $0x1  }
0x246: {  	v0 =	vadd.f32 v21, v0;
	_ =	sdelay $0x1  }
0x247: {  	v22 =	vld [tilespmem:s21+$0xC460];
	[tilespmem:s21+$0xC450] =	vst v0  }
0x248: {  	v23 =	vld [tilespmem:s15+$0x460];
	_ =	sdelay $0x1  }
0x249: {  	v24 =	vld [tilespmem:s21+$0x6460];
	_ =	sdelay $0x2  }
0x24a: {  	v0 =	vadd.f32 v23, v22;
	_ =	sdelay $0x1  }
0x24b: {  	v0 =	vadd.f32 v24, v0;
	_ =	sdelay $0x1  }
0x24c: {  	v25 =	vld [tilespmem:s21+$0xC470];
	[tilespmem:s21+$0xC460] =	vst v0  }
0x24d: {  	v26 =	vld [tilespmem:s15+$0x470];
	_ =	sdelay $0x1  }
0x24e: {  	v27 =	vld [tilespmem:s21+$0x6470];
	_ =	sdelay $0x2  }
0x24f: {  	v0 =	vadd.f32 v26, v25;
	_ =	sdelay $0x1  }
0x250: {  	v0 =	vadd.f32 v27, v0;
	_ =	sdelay $0x1  }
0x251: {  	v28 =	vld [tilespmem:s21+$0xC800];
	[tilespmem:s21+$0xC470] =	vst v0  }
0x252: {  	v29 =	vld [tilespmem:s15+$0x800];
	_ =	sdelay $0x1  }
0x253: {  	v30 =	vld [tilespmem:s21+$0x6800];
	_ =	sdelay $0x2  }
0x254: {  	v0 =	vadd.f32 v29, v28;
	_ =	sdelay $0x1  }
0x255: {  	v0 =	vadd.f32 v30, v0;
	_ =	sdelay $0x1  }
0x256: {  	v31 =	vld [tilespmem:s21+$0xC810];
	[tilespmem:s21+$0xC800] =	vst v0  }
0x257: {  	v32 =	vld [tilespmem:s16+$0x10];
	_ =	sdelay $0x1  }
0x258: {  	v33 =	vld [tilespmem:s21+$0x6810];
	_ =	sdelay $0x2  }
0x259: {  	v0 =	vadd.f32 v32, v31;
	_ =	sdelay $0x1  }
0x25a: {  	v0 =	vadd.f32 v33, v0;
	_ =	sdelay $0x1  }
0x25b: {  	v34 =	vld [tilespmem:s21+$0xC820];
	[tilespmem:s21+$0xC810] =	vst v0  }
0x25c: {  	v35 =	vld [tilespmem:s16+$0x20];
	_ =	sdelay $0x1  }
0x25d: {  	v36 =	vld [tilespmem:s21+$0x6820];
	_ =	sdelay $0x2  }
0x25e: {  	v0 =	vadd.f32 v35, v34;
	_ =	sdelay $0x1  }
0x25f: {  	v0 =	vadd.f32 v36, v0;
	_ =	sdelay $0x1  }
0x260: {  	v37 =	vld [tilespmem:s21+$0xC830];
	[tilespmem:s21+$0xC820] =	vst v0  }
0x261: {  	v38 =	vld [tilespmem:s16+$0x30];
	_ =	sdelay $0x1  }
0x262: {  	v39 =	vld [tilespmem:s21+$0x6830];
	_ =	sdelay $0x2  }
0x263: {  	v0 =	vadd.f32 v38, v37;
	_ =	sdelay $0x1  }
0x264: {  	v0 =	vadd.f32 v39, v0;
	_ =	sdelay $0x1  }
0x265: {  	v40 =	vld [tilespmem:s21+$0xC840];
	[tilespmem:s21+$0xC830] =	vst v0  }
0x266: {  	v41 =	vld [tilespmem:s16+$0x40];
	_ =	sdelay $0x1  }
0x267: {  	v42 =	vld [tilespmem:s21+$0x6840];
	_ =	sdelay $0x2  }
0x268: {  	v0 =	vadd.f32 v41, v40;
	_ =	sdelay $0x1  }
0x269: {  	v0 =	vadd.f32 v42, v0;
	_ =	sdelay $0x1  }
0x26a: {  	v43 =	vld [tilespmem:s21+$0xC850];
	[tilespmem:s21+$0xC840] =	vst v0  }
0x26b: {  	v44 =	vld [tilespmem:s16+$0x50];
	_ =	sdelay $0x1  }
0x26c: {  	v45 =	vld [tilespmem:s21+$0x6850];
	_ =	sdelay $0x2  }
0x26d: {  	v0 =	vadd.f32 v44, v43;
	_ =	sdelay $0x1  }
0x26e: {  	v0 =	vadd.f32 v45, v0;
	_ =	sdelay $0x1  }
0x26f: {  	v46 =	vld [tilespmem:s21+$0xC860];
	[tilespmem:s21+$0xC850] =	vst v0  }
0x270: {  	v47 =	vld [tilespmem:s16+$0x60];
	_ =	sdelay $0x1  }
0x271: {  	v48 =	vld [tilespmem:s21+$0x6860];
	_ =	sdelay $0x2  }
0x272: {  	v0 =	vadd.f32 v47, v46;
	_ =	sdelay $0x1  }
0x273: {  	v0 =	vadd.f32 v48, v0;
	_ =	sdelay $0x1  }
0x274: {  	v49 =	vld [tilespmem:s21+$0xC870];
	[tilespmem:s21+$0xC860] =	vst v0  }
0x275: {  	v50 =	vld [tilespmem:s16+$0x70];
	_ =	sdelay $0x1  }
0x276: {  	v51 =	vld [tilespmem:s21+$0x6870];
	_ =	sdelay $0x2  }
0x277: {  	v0 =	vadd.f32 v50, v49;
	_ =	sdelay $0x1  }
0x278: {  	v0 =	vadd.f32 v51, v0;
	_ =	sdelay $0x1  }
0x279: {  	v52 =	vld [tilespmem:s21+$0xCC00];
	[tilespmem:s21+$0xC870] =	vst v0  }
0x27a: {  	v53 =	vld [tilespmem:s15+$0xC00];
	_ =	sdelay $0x1  }
0x27b: {  	v54 =	vld [tilespmem:s21+$0x6C00];
	_ =	sdelay $0x2  }
0x27c: {  	v0 =	vadd.f32 v53, v52;
	_ =	sdelay $0x1  }
0x27d: {  	v0 =	vadd.f32 v54, v0;
	_ =	sdelay $0x1  }
0x27e: {  	v55 =	vld [tilespmem:s21+$0xCC10];
	[tilespmem:s21+$0xCC00] =	vst v0  }
0x27f: {  	v56 =	vld [tilespmem:s17+$0x10];
	_ =	sdelay $0x1  }
0x280: {  	v57 =	vld [tilespmem:s21+$0x6C10];
	_ =	sdelay $0x2  }
0x281: {  	v0 =	vadd.f32 v56, v55;
	_ =	sdelay $0x1  }
0x282: {  	v0 =	vadd.f32 v57, v0;
	_ =	sdelay $0x1  }
0x283: {  	v58 =	vld [tilespmem:s21+$0xCC20];
	[tilespmem:s21+$0xCC10] =	vst v0  }
0x284: {  	v59 =	vld [tilespmem:s17+$0x20];
	_ =	sdelay $0x1  }
0x285: {  	v60 =	vld [tilespmem:s21+$0x6C20];
	_ =	sdelay $0x2  }
0x286: {  	v0 =	vadd.f32 v59, v58;
	_ =	sdelay $0x1  }
0x287: {  	v0 =	vadd.f32 v60, v0;
	_ =	sdelay $0x1  }
0x288: {  	v61 =	vld [tilespmem:s21+$0xCC30];
	[tilespmem:s21+$0xCC20] =	vst v0  }
0x289: {  	v62 =	vld [tilespmem:s17+$0x30];
	_ =	sdelay $0x1  }
0x28a: {  	v63 =	vld [tilespmem:s21+$0x6C30];
	_ =	sdelay $0x2  }
0x28b: {  	v0 =	vadd.f32 v62, v61;
	_ =	sdelay $0x1  }
0x28c: {  	v0 =	vadd.f32 v63, v0;
	_ =	sdelay $0x1  }
0x28d: {  	v4 =	vld [tilespmem:s21+$0xCC40];
	[tilespmem:s21+$0xCC30] =	vst v0  }
0x28e: {  	v5 =	vld [tilespmem:s17+$0x40];
	_ =	sdelay $0x1  }
0x28f: {  	v6 =	vld [tilespmem:s21+$0x6C40];
	_ =	sdelay $0x2  }
0x290: {  	v0 =	vadd.f32 v5, v4;
	_ =	sdelay $0x1  }
0x291: {  	v0 =	vadd.f32 v6, v0;
	_ =	sdelay $0x1  }
0x292: {  	v7 =	vld [tilespmem:s21+$0xCC50];
	[tilespmem:s21+$0xCC40] =	vst v0  }
0x293: {  	v8 =	vld [tilespmem:s17+$0x50];
	_ =	sdelay $0x1  }
0x294: {  	v9 =	vld [tilespmem:s21+$0x6C50];
	_ =	sdelay $0x2  }
0x295: {  	v0 =	vadd.f32 v8, v7;
	_ =	sdelay $0x1  }
0x296: {  	v0 =	vadd.f32 v9, v0;
	_ =	sdelay $0x1  }
0x297: {  	v10 =	vld [tilespmem:s21+$0xCC60];
	[tilespmem:s21+$0xCC50] =	vst v0  }
0x298: {  	v11 =	vld [tilespmem:s17+$0x60];
	_ =	sdelay $0x1  }
0x299: {  	v12 =	vld [tilespmem:s21+$0x6C60];
	_ =	sdelay $0x2  }
0x29a: {  	v0 =	vadd.f32 v11, v10;
	_ =	sdelay $0x1  }
0x29b: {  	v0 =	vadd.f32 v12, v0;
	_ =	sdelay $0x1  }
0x29c: {  	v13 =	vld [tilespmem:s21+$0xCC70];
	[tilespmem:s21+$0xCC60] =	vst v0  }
0x29d: {  	v14 =	vld [tilespmem:s17+$0x70];
	_ =	sdelay $0x1  }
0x29e: {  	v15 =	vld [tilespmem:s21+$0x6C70];
	_ =	sdelay $0x2  }
0x29f: {  	v0 =	vadd.f32 v14, v13;
	_ =	sdelay $0x1  }
0x2a0: {  	v0 =	vadd.f32 v15, v0;
	_ =	sdelay $0x1  }
0x2a1: {  	v16 =	vld [tilespmem:s21+$0xD000];
	[tilespmem:s21+$0xCC70] =	vst v0  }
0x2a2: {  	v17 =	vld [tilespmem:s15+$0x1000];
	_ =	sdelay $0x1  }
0x2a3: {  	v18 =	vld [tilespmem:s21+$0x7000];
	_ =	sdelay $0x2  }
0x2a4: {  	v0 =	vadd.f32 v17, v16;
	_ =	sdelay $0x1  }
0x2a5: {  	v0 =	vadd.f32 v18, v0;
	_ =	sdelay $0x1  }
0x2a6: {  	v19 =	vld [tilespmem:s21+$0xD010];
	[tilespmem:s21+$0xD000] =	vst v0  }
0x2a7: {  	v20 =	vld [tilespmem:s18+$0x10];
	_ =	sdelay $0x1  }
0x2a8: {  	v21 =	vld [tilespmem:s21+$0x7010];
	_ =	sdelay $0x2  }
0x2a9: {  	v0 =	vadd.f32 v20, v19;
	_ =	sdelay $0x1  }
0x2aa: {  	v0 =	vadd.f32 v21, v0;
	_ =	sdelay $0x1  }
0x2ab: {  	v22 =	vld [tilespmem:s21+$0xD020];
	[tilespmem:s21+$0xD010] =	vst v0  }
0x2ac: {  	v23 =	vld [tilespmem:s18+$0x20];
	_ =	sdelay $0x1  }
0x2ad: {  	v24 =	vld [tilespmem:s21+$0x7020];
	_ =	sdelay $0x2  }
0x2ae: {  	v0 =	vadd.f32 v23, v22;
	_ =	sdelay $0x1  }
0x2af: {  	v0 =	vadd.f32 v24, v0;
	_ =	sdelay $0x1  }
0x2b0: {  	v25 =	vld [tilespmem:s21+$0xD030];
	[tilespmem:s21+$0xD020] =	vst v0  }
0x2b1: {  	v26 =	vld [tilespmem:s18+$0x30];
	_ =	sdelay $0x1  }
0x2b2: {  	v27 =	vld [tilespmem:s21+$0x7030];
	_ =	sdelay $0x2  }
0x2b3: {  	v0 =	vadd.f32 v26, v25;
	_ =	sdelay $0x1  }
0x2b4: {  	v0 =	vadd.f32 v27, v0;
	_ =	sdelay $0x1  }
0x2b5: {  	v28 =	vld [tilespmem:s21+$0xD040];
	[tilespmem:s21+$0xD030] =	vst v0  }
0x2b6: {  	v29 =	vld [tilespmem:s18+$0x40];
	_ =	sdelay $0x1  }
0x2b7: {  	v30 =	vld [tilespmem:s21+$0x7040];
	_ =	sdelay $0x2  }
0x2b8: {  	v0 =	vadd.f32 v29, v28;
	_ =	sdelay $0x1  }
0x2b9: {  	v0 =	vadd.f32 v30, v0;
	_ =	sdelay $0x1  }
0x2ba: {  	v31 =	vld [tilespmem:s21+$0xD050];
	[tilespmem:s21+$0xD040] =	vst v0  }
0x2bb: {  	v32 =	vld [tilespmem:s18+$0x50];
	_ =	sdelay $0x1  }
0x2bc: {  	v33 =	vld [tilespmem:s21+$0x7050];
	_ =	sdelay $0x2  }
0x2bd: {  	v0 =	vadd.f32 v32, v31;
	_ =	sdelay $0x1  }
0x2be: {  	v0 =	vadd.f32 v33, v0;
	_ =	sdelay $0x1  }
0x2bf: {  	v34 =	vld [tilespmem:s21+$0xD060];
	[tilespmem:s21+$0xD050] =	vst v0  }
0x2c0: {  	v35 =	vld [tilespmem:s18+$0x60];
	_ =	sdelay $0x1  }
0x2c1: {  	v36 =	vld [tilespmem:s21+$0x7060];
	_ =	sdelay $0x2  }
0x2c2: {  	v0 =	vadd.f32 v35, v34;
	_ =	sdelay $0x1  }
0x2c3: {  	v0 =	vadd.f32 v36, v0;
	_ =	sdelay $0x1  }
0x2c4: {  	v37 =	vld [tilespmem:s21+$0xD070];
	[tilespmem:s21+$0xD060] =	vst v0  }
0x2c5: {  	v38 =	vld [tilespmem:s18+$0x70];
	_ =	sdelay $0x1  }
0x2c6: {  	v39 =	vld [tilespmem:s21+$0x7070];
	_ =	sdelay $0x2  }
0x2c7: {  	v0 =	vadd.f32 v38, v37;
	_ =	sdelay $0x1  }
0x2c8: {  	v0 =	vadd.f32 v39, v0;
	_ =	sdelay $0x1  }
0x2c9: {  	v40 =	vld [tilespmem:s21+$0xD400];
	[tilespmem:s21+$0xD070] =	vst v0  }
0x2ca: {  	v41 =	vld [tilespmem:s15+$0x1400];
	_ =	sdelay $0x1  }
0x2cb: {  	v42 =	vld [tilespmem:s21+$0x7400];
	_ =	sdelay $0x2  }
0x2cc: {  	v0 =	vadd.f32 v41, v40;
	_ =	sdelay $0x1  }
0x2cd: {  	v0 =	vadd.f32 v42, v0;
	_ =	sdelay $0x1  }
0x2ce: {  	v43 =	vld [tilespmem:s21+$0xD410];
	[tilespmem:s21+$0xD400] =	vst v0  }
0x2cf: {  	v44 =	vld [tilespmem:s19+$0x10];
	_ =	sdelay $0x1  }
0x2d0: {  	v45 =	vld [tilespmem:s21+$0x7410];
	_ =	sdelay $0x2  }
0x2d1: {  	v0 =	vadd.f32 v44, v43;
	_ =	sdelay $0x1  }
0x2d2: {  	v0 =	vadd.f32 v45, v0;
	_ =	sdelay $0x1  }
0x2d3: {  	v46 =	vld [tilespmem:s21+$0xD420];
	[tilespmem:s21+$0xD410] =	vst v0  }
0x2d4: {  	v47 =	vld [tilespmem:s19+$0x20];
	_ =	sdelay $0x1  }
0x2d5: {  	v48 =	vld [tilespmem:s21+$0x7420];
	_ =	sdelay $0x2  }
0x2d6: {  	v0 =	vadd.f32 v47, v46;
	_ =	sdelay $0x1  }
0x2d7: {  	v0 =	vadd.f32 v48, v0;
	_ =	sdelay $0x1  }
0x2d8: {  	v49 =	vld [tilespmem:s21+$0xD430];
	[tilespmem:s21+$0xD420] =	vst v0  }
0x2d9: {  	v50 =	vld [tilespmem:s19+$0x30];
	_ =	sdelay $0x1  }
0x2da: {  	v51 =	vld [tilespmem:s21+$0x7430];
	_ =	sdelay $0x2  }
0x2db: {  	v0 =	vadd.f32 v50, v49;
	_ =	sdelay $0x1  }
0x2dc: {  	v0 =	vadd.f32 v51, v0;
	_ =	sdelay $0x1  }
0x2dd: {  	v52 =	vld [tilespmem:s21+$0xD440];
	[tilespmem:s21+$0xD430] =	vst v0  }
0x2de: {  	v53 =	vld [tilespmem:s19+$0x40];
	_ =	sdelay $0x1  }
0x2df: {  	v54 =	vld [tilespmem:s21+$0x7440];
	_ =	sdelay $0x2  }
0x2e0: {  	v0 =	vadd.f32 v53, v52;
	_ =	sdelay $0x1  }
0x2e1: {  	v0 =	vadd.f32 v54, v0;
	_ =	sdelay $0x1  }
0x2e2: {  	v55 =	vld [tilespmem:s21+$0xD450];
	[tilespmem:s21+$0xD440] =	vst v0  }
0x2e3: {  	v56 =	vld [tilespmem:s19+$0x50];
	_ =	sdelay $0x1  }
0x2e4: {  	v57 =	vld [tilespmem:s21+$0x7450];
	_ =	sdelay $0x2  }
0x2e5: {  	v0 =	vadd.f32 v56, v55;
	_ =	sdelay $0x1  }
0x2e6: {  	v0 =	vadd.f32 v57, v0;
	_ =	sdelay $0x1  }
0x2e7: {  	v58 =	vld [tilespmem:s21+$0xD460];
	[tilespmem:s21+$0xD450] =	vst v0  }
0x2e8: {  	v59 =	vld [tilespmem:s19+$0x60];
	_ =	sdelay $0x1  }
0x2e9: {  	v60 =	vld [tilespmem:s21+$0x7460];
	_ =	sdelay $0x2  }
0x2ea: {  	v0 =	vadd.f32 v59, v58;
	_ =	sdelay $0x1  }
0x2eb: {  	v0 =	vadd.f32 v60, v0;
	_ =	sdelay $0x1  }
0x2ec: {  	v61 =	vld [tilespmem:s21+$0xD470];
	[tilespmem:s21+$0xD460] =	vst v0  }
0x2ed: {  	v62 =	vld [tilespmem:s19+$0x70];
	_ =	sdelay $0x1  }
0x2ee: {  	v63 =	vld [tilespmem:s21+$0x7470];
	_ =	sdelay $0x2  }
0x2ef: {  	v0 =	vadd.f32 v62, v61;
	_ =	sdelay $0x1  }
0x2f0: {  	s13 =	sadd.s32 $0x1, s13;
	v0 =	vadd.f32 v63, v0  }
0x2f1: {  	p0 =	sne.s32 s13, $0x20  }
.Ltmp1:
0x2f2: {  	s14 =	sadd.s32 s4, s14;
	[tilespmem:s21+$0xD470] =	vst v0;
	(pc) =	sbr.rel @p0 .LBB2_2-.Ltmp1, $4  }
0x2f3: {  	[hbm4b:s14+s5] =	stream.linear.scatter [tilespmem:s11], [sflag:$0x1], $0x6000, $0x38;
	[tilespmem:$0x12000] =	vst v63  }
0x2f4: {  	_ =	swait.ge [sflag:s9], $0x6000  }
0x2f5: {  	[sflag:s9] =	ssyncset.done $0x0  }
0x2f6: {  	[sflag:s9] =	ssyncadd.s32 $0xFFFFA000  }
0x2f7: {  	s12 =	sadd.s32 $0x1, s12  }
0x2f8: {  	p0 =	sne.s32 s12, s8  }
.Ltmp2:
0x2f9: {  	_ = 	snop;
	(pc) =	sbr.rel @p0 .LBB2_1-.Ltmp2, $1  }
0x2fa: {  	_ =	sdelay $0x3  }
0x2fb: {  	_ =	sfence.sel $0x180000  }
0x2fc: {  	[bflag:$0x0] =	sbarrier.arrive $0xFFFF  }
0x2fd: {  	p0 =	sne.s32 s6, $0x0;
	_ =	strace $0x90000047  }
0x2fe: {  	s0 =	sadd.s32 @!p0 $0x100000, s0;
	[bflag:$0x2] =	sbarrier.arrive $0xFFFF  }
0x2ff: {  	[sflag:s0] =	ssyncadd.tile.s32 @!p0 $0x1;
	_ =	shalt  }
.Lfunc_end2:
_tile_overlayer_lowered:
.L_overlay_start_2:
0x300: {  	(tag) =	ssettag $0x2  }
0x301: {  	s0 =	rddreg [dreg:$0x0];
	s2 =	stileid.u32  }
0x302: {  	s1 =	rddreg [dreg:$0x1];
	p0 =	sne.s32 s2, $0x0  }
0x303: {  	s3 =	rddreg [dreg:$0x2];
	[bflag:$0x3] =	sbarrier.arrive $0xFFFF;
	s2 =	simm.s32 @!p0 $0x1C01  }
0x304: {  	[timem:s3], [sflag:s2] =	dma.local @!p0 [hbm:s0], s1  }
0x305: {  	s0 =	simm.s32 @!p0 $0x1  }
0x306: {  	_ =	swait.ge @!p0 [sflag:s0], s1  }
0x307: {  	s1 =	ssub.s32 @!p0 $0x0, s1;
	[sflag:s0] =	ssyncset.done @!p0 $0x0  }
0x308: {  	[sflag:s0] =	ssyncadd.s32 @!p0 s1  }
0x309: {  	[bflag:$0x3] =	sbarrier.arrive $0xFFFF  }
0x30a: {  	_ =	shalt  }

</sc_bundles>
